<compile_context>
chip_gen: v7x
topology: tpu7x:2x2x1
jax: 0.10.2.dev20260603
libtpu: 0.0.44.dev20260713+nightly
codegen_flags: <defaults>
</compile_context>

<pallas_src>
import functools

import jax
import jax.numpy as jnp
from jax import lax
from jax.experimental import pallas as pl
from jax.experimental.pallas import tpu as pltpu
from jax.experimental.pallas import tpu_sc as plsc

_NB = 16
_C = 16


def _sc_gather(table, idx_t, v):
    nw = 32
    ch = (2 * v * 8) // nw
    mesh = plsc.VectorSubcoreMesh(core_axis_name="c", subcore_axis_name="s")

    @functools.partial(
        pl.kernel,
        mesh=mesh,
        compiler_params=pltpu.CompilerParams(use_tc_tiling_on_sc=False),
        out_type=jax.ShapeDtypeStruct((2 * v, 8 * _C), jnp.float32),
        scratch_types=[
            pltpu.VMEM((ch,), jnp.int32),
            pltpu.VMEM((ch, _C), jnp.float32),
            pltpu.SemaphoreType.DMA,
        ],
    )
    def k(table_hbm, idx_hbm, out_hbm, idx_v, rows_v, sem):
        wid = lax.axis_index("s") * 2 + lax.axis_index("c")
        nn = wid % _NB
        half = wid // _NB
        v0 = half * ch
        pltpu.sync_copy(idx_hbm.at[pl.ds(nn * v + v0, ch)], idx_v)
        pltpu.async_copy(table_hbm.at[idx_v], rows_v, sem).wait()
        pltpu.sync_copy(
            rows_v,
            out_hbm.at[pl.ds((nn // 8) * v + v0, ch),
                       pl.ds((nn % 8) * _C, _C)],
        )

    return k(table, idx_t)


def _tc_body(pxa_ref, pxb_ref, x_ref, adj_ref, wf_ref, tm_ref, gt_ref,
             t8_ref, gt8_ref, gs8_ref, o_ref):
    pxa = pxa_ref[0]
    pxb = pxb_ref[0]
    xb = x_ref[0]
    adjb = adj_ref[...]
    wf = wf_ref[...]
    tm = tm_ref[...]
    gt = gt_ref[...]
    t8 = t8_ref[...]
    gt8 = gt8_ref[...]
    gs8 = gs8_ref[...]
    f32 = jnp.float32

    xt = jnp.dot(xb, t8, preferred_element_type=f32)
    ea = jnp.exp(xt - pxa)
    eb = jnp.exp(xt - pxb)
    sa = jnp.dot(ea, gs8, preferred_element_type=f32)
    sb = jnp.dot(eb, gs8, preferred_element_type=f32)
    qa = ea * jnp.dot(1.0 / sa, gt8, preferred_element_type=f32)
    qb = eb * jnp.dot(1.0 / sb, gt8, preferred_element_type=f32)

    acc = None
    for g in range(8):
        sl = slice(g * _C, (g + 1) * _C)
        for q_h, px_h in ((qa, pxa), (qb, pxb)):
            term = (jnp.dot(q_h[:, sl], gt, preferred_element_type=f32) *
                    jnp.dot(px_h[:, sl], tm, preferred_element_type=f32))
            acc = term if acc is None else acc + term

    out = jnp.dot(acc, wf, preferred_element_type=f32)
    m = (adjb != 0).astype(f32)
    cnt = jnp.sum(m, axis=1, keepdims=True)
    inv = jnp.where(cnt > 0.0, 1.0 / cnt, 0.0)
    o_ref[0] = jnp.maximum(out * inv, 0.0)


def _tc_dense(px2, x1, adj, wf, tm, gt, t8, gt8, gs8):
    _, v, _ = px2.shape
    vb = 2000
    nj = v // vb
    return pl.pallas_call(
        _tc_body,
        grid=(nj,),
        in_specs=[
            pl.BlockSpec((1, vb, 8 * _C), lambda j: (0, j, 0)),
            pl.BlockSpec((1, vb, 8 * _C), lambda j: (1, j, 0)),
            pl.BlockSpec((1, vb, _C), lambda j: (0, j, 0)),
            pl.BlockSpec((vb, _NB), lambda j: (j, 0)),
            pl.BlockSpec((_NB * _C, _C), lambda j: (0, 0)),
            pl.BlockSpec((_C, _NB * _C), lambda j: (0, 0)),
            pl.BlockSpec((_C, _NB * _C), lambda j: (0, 0)),
            pl.BlockSpec((_C, 8 * _C), lambda j: (0, 0)),
            pl.BlockSpec((8, 8 * _C), lambda j: (0, 0)),
            pl.BlockSpec((8 * _C, 8), lambda j: (0, 0)),
        ],
        out_specs=pl.BlockSpec((1, vb, _C), lambda j: (0, j, 0)),
        out_shape=jax.ShapeDtypeStruct((1, v, _C), jnp.float32),
    )(px2, px2, x1, adj, wf, tm, gt, t8, gt8, gs8)


def kernel(x, adj, W, u):
    del u
    b, v, c = x.shape
    nb = adj.shape[1]
    out_f = W.shape[2]

    idx = adj.T.reshape(-1)
    wf = W.transpose(1, 0, 2).reshape(nb * c, out_f)
    eye = jnp.eye(c, dtype=jnp.float32)
    tm = jnp.tile(eye, (1, nb))
    gt = jnp.repeat(eye, nb, axis=1)
    t8 = jnp.tile(eye, (1, 8))
    gt8 = jnp.repeat(jnp.eye(8, dtype=jnp.float32), 16, axis=1)
    gs8 = gt8.T

    pad = jnp.zeros((1, c), x.dtype)
    outs = []
    for bi in range(b):
        table = jnp.concatenate([pad, x[bi]], axis=0)
        px = _sc_gather(table, idx, v)
        px2 = px.reshape(2, v, 8 * c)
        outs.append(_tc_dense(px2, x[bi:bi + 1], adj, wf, tm, gt, t8, gt8, gs8))
    return jnp.concatenate(outs, axis=0)

# --- scband reference (transcript-rebuilt; emitter-appended) ---
"""Pipeline reference for scband-nlayer-78881369358594 (READ-ONLY COPY).

The authoritative reference and input builder live on the scoring server;
editing this copy changes nothing except your own understanding.
"""

import jax, jax.numpy as jnp
import numpy as np


def setup_inputs(seed: int = 0) -> dict:
    key = jax.random.key(seed)
    k1, k2, k3, k4 = jax.random.split(key, 4)
    B, V, C = 2, 10000, 16
    NB, KS, OUT = 16, 16, 16
    x = jax.random.normal(k1, (B, V, C), dtype=jnp.float32)
    # adj indexes into zero-padded feature tensor of length V+1; 0 means 'no neighbor'
    adj = jax.random.randint(k2, (V, NB), 0, V + 1, dtype=jnp.int32)
    W = jax.random.normal(k3, (C, KS, OUT), dtype=jnp.float32) * np.sqrt(2.0 / (C + KS * OUT))
    u = jax.random.normal(k4, (C, KS), dtype=jnp.float32) * np.sqrt(2.0 / (C + KS))
    return {"x": x, "adj": adj, "W": W, "u": u}


def _neighbor(feat, adj):
    # pad a zero feature row at index 0, then gather neighbor features
    pad = jnp.zeros((feat.shape[0], 1, feat.shape[-1]), feat.dtype)
    padded = jnp.concatenate([pad, feat], axis=1)
    return jnp.take(padded, adj, axis=1)  # [B, V, NB, F]


def _forward(x, W, u, adj):
    B, V, C = x.shape
    KS, OUT = W.shape[1], W.shape[2]
    NB = adj.shape[1]
    # reciprocal neighbor counts (0 where vertex has no neighbors)
    adj_cnt = jnp.count_nonzero(adj, axis=-1).astype(jnp.float32)
    adj_inv = jnp.where(adj_cnt != 0, 1.0 / adj_cnt, jnp.zeros_like(adj_cnt)).reshape(1, V, 1, 1)
    # wx = x @ reshape(W) per batch element (tf.map_fn matmul)
    w = W.reshape(C, KS * OUT)
    wx = jnp.einsum('bvc,ck->bvk', x, w)  # [B, V, KS*OUT]
    patches = _neighbor(wx, adj)  # [B, V, NB, KS*OUT]
    # calc_diff: masked (x_i - x_j), softmax over coord dim
    px = _neighbor(x, adj)  # [B, V, NB, C]
    mask = (adj != 0)[None, :, :, None]
    diff = jnp.where(mask, x[:, :, None, :] - px, jnp.zeros_like(px))
    # NOTE: original code computes matmul(diff, u) via map_fn but then overwrites q
    # with a reshape of diff (dead code). Kept for fidelity; result discarded.
    _dead = jnp.einsum('bnc,ck->bnk', diff.reshape(B, V * NB, C), u)
    q = jax.nn.softmax(diff, axis=-1)  # [B, V, NB, C]
    patches = patches.reshape(B, V, NB, KS, OUT)
    out = q[..., None] * patches  # broadcast requires C == KS
    out = jnp.sum(out, axis=2)  # sum over neighbors -> [B, V, KS, OUT]
    out = adj_inv * out
    out = jnp.sum(out, axis=2)  # sum over kernel -> [B, V, OUT]
    return jax.nn.relu(out)


def reference(x, adj, W, u):
    return _forward(x, W, u, adj)

if __name__ == "__main__":
    import jax
    _d = setup_inputs()
    print(jax.jit(kernel)(*tuple(_d.values())))

</pallas_src>

<mosaic_0001>
#map = affine_map<(d0, d1) -> (0, 0)>
#map1 = affine_map<(d0, d1) -> (0)>
module attributes {stable_mosaic.version = 14 : i64} {
  func.func @k(%arg0: i32, %arg1: i32, %arg2: memref<10001x16xf32, #tpu.memory_space<hbm>>, %arg3: memref<160000xi32, #tpu.memory_space<hbm>>, %arg4: memref<20000x128xf32, #tpu.memory_space<hbm>>, %arg5: memref<5000xi32, #tpu.memory_space<vmem>>, %arg6: memref<5000x16xf32, #tpu.memory_space<vmem>>, %arg7: memref<!tpu.dma_semaphore, #tpu.memory_space<semaphore_mem>>) attributes {dimension_semantics = [#tpu.dimension_semantics<core_parallel>, #tpu.dimension_semantics<subcore_parallel>], iteration_bounds = array<i64: 2, 16>, scalar_prefetch = 0 : i64, scratch_operands = 3 : i64, tpu.core_type = #tpu.core_type<sc_vector_subcore>, window_params = [{transform_indices = #map}, {transform_indices = #map1}, {transform_indices = #map}]} {
    %mul3A = arith.constant 2 : i32
    %mul3A_0 = arith.muli %arg1, %mul3A : i32
    %add3A = arith.addi %mul3A_0, %arg0 : i32
    %jit3A = arith.constant 16 : i32
    %eq3A = arith.constant 0 : i32
    %eq3A_1 = arith.cmpi eq, %jit3A, %eq3A : i32
    %jit3A_2 = arith.constant 1 : i32
    %select_n3A = arith.select %eq3A_1, %jit3A_2, %jit3A : i32
    %rem3A = arith.remsi %add3A, %select_n3A : i32
    %ne3A = arith.constant 0 : i32
    %ne3A_3 = arith.cmpi ne, %rem3A, %ne3A : i32
    %lt3A = arith.constant 0 : i32
    %lt3A_4 = arith.cmpi slt, %rem3A, %lt3A : i32
    %lt3A_5 = arith.constant 0 : i32
    %lt3A_6 = arith.cmpi slt, %select_n3A, %lt3A_5 : i32
    %ne3A_7 = arith.xori %lt3A_4, %lt3A_6 : i1
    %and3A = arith.andi %ne3A_7, %ne3A_3 : i1
    %add3A_8 = arith.addi %rem3A, %select_n3A : i32
    %select_n3A_9 = arith.select %and3A, %add3A_8, %rem3A : i32
    %jit3A_10 = arith.constant 16 : i32
    %div3A = arith.divsi %add3A, %jit3A_10 : i32
    %sign3A = arith.constant 0 : i32
    %sign3A_11 = arith.cmpi sgt, %add3A, %sign3A : i32
    %sign3A_12 = arith.extui %sign3A_11 : i1 to i32
    %sign3A_13 = arith.constant 0 : i32
    %sign3A_14 = arith.cmpi slt, %add3A, %sign3A_13 : i32
    %sign3A_15 = arith.extui %sign3A_14 : i1 to i32
    %sign3A_16 = arith.subi %sign3A_12, %sign3A_15 : i32
    %sign3A_17 = arith.constant 0 : i32
    %sign3A_18 = arith.cmpi sgt, %jit3A_10, %sign3A_17 : i32
    %sign3A_19 = arith.extui %sign3A_18 : i1 to i32
    %sign3A_20 = arith.constant 0 : i32
    %sign3A_21 = arith.cmpi slt, %jit3A_10, %sign3A_20 : i32
    %sign3A_22 = arith.extui %sign3A_21 : i1 to i32
    %sign3A_23 = arith.subi %sign3A_19, %sign3A_22 : i32
    %ne3A_24 = arith.cmpi ne, %sign3A_16, %sign3A_23 : i32
    %rem3A_25 = arith.remsi %add3A, %jit3A_10 : i32
    %ne3A_26 = arith.constant 0 : i32
    %ne3A_27 = arith.cmpi ne, %rem3A_25, %ne3A_26 : i32
    %and3A_28 = arith.andi %ne3A_24, %ne3A_27 : i1
    %sub3A = arith.constant 1 : i32
    %sub3A_29 = arith.subi %div3A, %sub3A : i32
    %select_n3A_30 = arith.select %and3A_28, %sub3A_29, %div3A : i32
    %mul3A_31 = arith.constant 5000 : i32
    %mul3A_32 = arith.muli %select_n3A_30, %mul3A_31 : i32
    %mul3A_33 = arith.constant 10000 : i32
    %mul3A_34 = arith.muli %select_n3A_9, %mul3A_33 : i32
    %add3A_35 = arith.addi %mul3A_34, %mul3A_32 : i32
    "tpu.region"() ({
      %run_scoped3A = tpu.sem_alloc : memref<!tpu.dma_semaphore, #tpu.memory_space<semaphore_mem>>
      %dma_start3A_85 = tpu.memref_slice %arg3[%add3A_35] : memref<160000xi32, #tpu.memory_space<hbm>> -> memref<5000xi32, #tpu.memory_space<hbm>>
      %dma_start3A_86 = tpu.memref_slice %arg3[%add3A_35] : memref<160000xi32, #tpu.memory_space<hbm>> -> memref<5000xi32, #tpu.memory_space<hbm>>
      tpu.enqueue_dma source(%dma_start3A_86 : memref<5000xi32, #tpu.memory_space<hbm>>) target(%arg5 : memref<5000xi32, #tpu.memory_space<vmem>>) target_semaphore(%run_scoped3A : memref<!tpu.dma_semaphore, #tpu.memory_space<semaphore_mem>>)
      %dma_wait3A_87 = tpu.memref_slice %arg3[%add3A_35] : memref<160000xi32, #tpu.memory_space<hbm>> -> memref<5000xi32, #tpu.memory_space<hbm>>
      %dma_wait3A_88 = tpu.memref_slice %arg3[%add3A_35] : memref<160000xi32, #tpu.memory_space<hbm>> -> memref<5000xi32, #tpu.memory_space<hbm>>
      tpu.wait_dma2 semaphore(%run_scoped3A : memref<!tpu.dma_semaphore, #tpu.memory_space<semaphore_mem>>) src(%dma_wait3A_88 : memref<5000xi32, #tpu.memory_space<hbm>>) dst(%arg5 : memref<5000xi32, #tpu.memory_space<vmem>>)
      tpu.yield
    }) : () -> ()
    %dma_start3A = arith.constant 0 : i32
    %dma_start3A_36 = arith.constant 0 : i32
    %dma_start3A_37 = tpu.memref_slice %arg2[%dma_start3A, %dma_start3A_36] : memref<10001x16xf32, #tpu.memory_space<hbm>> -> memref<10001x16xf32, #tpu.memory_space<hbm>>
    tpu.enqueue_indirect_dma source(%dma_start3A_37 : memref<10001x16xf32, #tpu.memory_space<hbm>>) target(%arg6 : memref<5000x16xf32, #tpu.memory_space<vmem>>) offsets(%arg5 : memref<5000xi32, #tpu.memory_space<vmem>>) semaphore(%arg7 : memref<!tpu.dma_semaphore, #tpu.memory_space<semaphore_mem>>)
    %dma_wait3A = arith.constant 0 : i32
    %dma_wait3A_38 = arith.constant 0 : i32
    %dma_wait3A_39 = tpu.memref_slice %arg2[%dma_wait3A, %dma_wait3A_38] : memref<10001x16xf32, #tpu.memory_space<hbm>> -> memref<10001x16xf32, #tpu.memory_space<hbm>>
    tpu.wait_indirect_dma semaphore(%arg7 : memref<!tpu.dma_semaphore, #tpu.memory_space<semaphore_mem>>) src(%dma_wait3A_39 : memref<10001x16xf32, #tpu.memory_space<hbm>>) dst(%arg6 : memref<5000x16xf32, #tpu.memory_space<vmem>>)
    %jit3A_40 = arith.constant 8 : i32
    %div3A_41 = arith.divsi %select_n3A_9, %jit3A_40 : i32
    %sign3A_42 = arith.constant 0 : i32
    %sign3A_43 = arith.cmpi sgt, %select_n3A_9, %sign3A_42 : i32
    %sign3A_44 = arith.extui %sign3A_43 : i1 to i32
    %sign3A_45 = arith.constant 0 : i32
    %sign3A_46 = arith.cmpi slt, %select_n3A_9, %sign3A_45 : i32
    %sign3A_47 = arith.extui %sign3A_46 : i1 to i32
    %sign3A_48 = arith.subi %sign3A_44, %sign3A_47 : i32
    %sign3A_49 = arith.constant 0 : i32
    %sign3A_50 = arith.cmpi sgt, %jit3A_40, %sign3A_49 : i32
    %sign3A_51 = arith.extui %sign3A_50 : i1 to i32
    %sign3A_52 = arith.constant 0 : i32
    %sign3A_53 = arith.cmpi slt, %jit3A_40, %sign3A_52 : i32
    %sign3A_54 = arith.extui %sign3A_53 : i1 to i32
    %sign3A_55 = arith.subi %sign3A_51, %sign3A_54 : i32
    %ne3A_56 = arith.cmpi ne, %sign3A_48, %sign3A_55 : i32
    %rem3A_57 = arith.remsi %select_n3A_9, %jit3A_40 : i32
    %ne3A_58 = arith.constant 0 : i32
    %ne3A_59 = arith.cmpi ne, %rem3A_57, %ne3A_58 : i32
    %and3A_60 = arith.andi %ne3A_56, %ne3A_59 : i1
    %sub3A_61 = arith.constant 1 : i32
    %sub3A_62 = arith.subi %div3A_41, %sub3A_61 : i32
    %select_n3A_63 = arith.select %and3A_60, %sub3A_62, %div3A_41 : i32
    %mul3A_64 = arith.constant 10000 : i32
    %mul3A_65 = arith.muli %select_n3A_63, %mul3A_64 : i32
    %add3A_66 = arith.addi %mul3A_65, %mul3A_32 : i32
    %jit3A_67 = arith.constant 8 : i32
    %eq3A_68 = arith.constant 0 : i32
    %eq3A_69 = arith.cmpi eq, %jit3A_67, %eq3A_68 : i32
    %jit3A_70 = arith.constant 1 : i32
    %select_n3A_71 = arith.select %eq3A_69, %jit3A_70, %jit3A_67 : i32
    %rem3A_72 = arith.remsi %select_n3A_9, %select_n3A_71 : i32
    %ne3A_73 = arith.constant 0 : i32
    %ne3A_74 = arith.cmpi ne, %rem3A_72, %ne3A_73 : i32
    %lt3A_75 = arith.constant 0 : i32
    %lt3A_76 = arith.cmpi slt, %rem3A_72, %lt3A_75 : i32
    %lt3A_77 = arith.constant 0 : i32
    %lt3A_78 = arith.cmpi slt, %select_n3A_71, %lt3A_77 : i32
    %ne3A_79 = arith.xori %lt3A_76, %lt3A_78 : i1
    %and3A_80 = arith.andi %ne3A_79, %ne3A_74 : i1
    %add3A_81 = arith.addi %rem3A_72, %select_n3A_71 : i32
    %select_n3A_82 = arith.select %and3A_80, %add3A_81, %rem3A_72 : i32
    %mul3A_83 = arith.constant 16 : i32
    %mul3A_84 = arith.muli %select_n3A_82, %mul3A_83 : i32
    "tpu.region"() ({
      %run_scoped3A = tpu.sem_alloc : memref<!tpu.dma_semaphore, #tpu.memory_space<semaphore_mem>>
      %dma_start3A_85 = tpu.memref_slice %arg4[%add3A_66, %mul3A_84] : memref<20000x128xf32, #tpu.memory_space<hbm>> -> memref<5000x16xf32, #tpu.memory_space<hbm>>
      %dma_start3A_86 = tpu.memref_slice %arg4[%add3A_66, %mul3A_84] : memref<20000x128xf32, #tpu.memory_space<hbm>> -> memref<5000x16xf32, #tpu.memory_space<hbm>>
      tpu.enqueue_dma source(%arg6 : memref<5000x16xf32, #tpu.memory_space<vmem>>) target(%dma_start3A_86 : memref<5000x16xf32, #tpu.memory_space<hbm>>) target_semaphore(%run_scoped3A : memref<!tpu.dma_semaphore, #tpu.memory_space<semaphore_mem>>)
      %dma_wait3A_87 = tpu.memref_slice %arg4[%add3A_66, %mul3A_84] : memref<20000x128xf32, #tpu.memory_space<hbm>> -> memref<5000x16xf32, #tpu.memory_space<hbm>>
      %dma_wait3A_88 = tpu.memref_slice %arg4[%add3A_66, %mul3A_84] : memref<20000x128xf32, #tpu.memory_space<hbm>> -> memref<5000x16xf32, #tpu.memory_space<hbm>>
      tpu.wait_dma2 semaphore(%run_scoped3A : memref<!tpu.dma_semaphore, #tpu.memory_space<semaphore_mem>>) src(%arg6 : memref<5000x16xf32, #tpu.memory_space<vmem>>) dst(%dma_wait3A_88 : memref<5000x16xf32, #tpu.memory_space<hbm>>)
      tpu.yield
    }) : () -> ()
    return
  }
}

#map = affine_map<(d0, d1) -> (0, 0)>
#map1 = affine_map<(d0, d1) -> (0)>
module attributes {stable_mosaic.version = 14 : i64} {
  func.func @k(%arg0: i32, %arg1: i32, %arg2: memref<10001x16xf32, #tpu.memory_space<hbm>>, %arg3: memref<160000xi32, #tpu.memory_space<hbm>>, %arg4: memref<20000x128xf32, #tpu.memory_space<hbm>>, %arg5: memref<5000xi32, #tpu.memory_space<vmem>>, %arg6: memref<5000x16xf32, #tpu.memory_space<vmem>>, %arg7: memref<!tpu.dma_semaphore, #tpu.memory_space<semaphore_mem>>) attributes {dimension_semantics = [#tpu.dimension_semantics<core_parallel>, #tpu.dimension_semantics<subcore_parallel>], iteration_bounds = array<i64: 2, 16>, scalar_prefetch = 0 : i64, scratch_operands = 3 : i64, tpu.core_type = #tpu.core_type<sc_vector_subcore>, window_params = [{transform_indices = #map}, {transform_indices = #map1}, {transform_indices = #map}]} {
    %mul3A = arith.constant 2 : i32
    %mul3A_0 = arith.muli %arg1, %mul3A : i32
    %add3A = arith.addi %mul3A_0, %arg0 : i32
    %jit3A = arith.constant 16 : i32
    %eq3A = arith.constant 0 : i32
    %eq3A_1 = arith.cmpi eq, %jit3A, %eq3A : i32
    %jit3A_2 = arith.constant 1 : i32
    %select_n3A = arith.select %eq3A_1, %jit3A_2, %jit3A : i32
    %rem3A = arith.remsi %add3A, %select_n3A : i32
    %ne3A = arith.constant 0 : i32
    %ne3A_3 = arith.cmpi ne, %rem3A, %ne3A : i32
    %lt3A = arith.constant 0 : i32
    %lt3A_4 = arith.cmpi slt, %rem3A, %lt3A : i32
    %lt3A_5 = arith.constant 0 : i32
    %lt3A_6 = arith.cmpi slt, %select_n3A, %lt3A_5 : i32
    %ne3A_7 = arith.xori %lt3A_4, %lt3A_6 : i1
    %and3A = arith.andi %ne3A_7, %ne3A_3 : i1
    %add3A_8 = arith.addi %rem3A, %select_n3A : i32
    %select_n3A_9 = arith.select %and3A, %add3A_8, %rem3A : i32
    %jit3A_10 = arith.constant 16 : i32
    %div3A = arith.divsi %add3A, %jit3A_10 : i32
    %sign3A = arith.constant 0 : i32
    %sign3A_11 = arith.cmpi sgt, %add3A, %sign3A : i32
    %sign3A_12 = arith.extui %sign3A_11 : i1 to i32
    %sign3A_13 = arith.constant 0 : i32
    %sign3A_14 = arith.cmpi slt, %add3A, %sign3A_13 : i32
    %sign3A_15 = arith.extui %sign3A_14 : i1 to i32
    %sign3A_16 = arith.subi %sign3A_12, %sign3A_15 : i32
    %sign3A_17 = arith.constant 0 : i32
    %sign3A_18 = arith.cmpi sgt, %jit3A_10, %sign3A_17 : i32
    %sign3A_19 = arith.extui %sign3A_18 : i1 to i32
    %sign3A_20 = arith.constant 0 : i32
    %sign3A_21 = arith.cmpi slt, %jit3A_10, %sign3A_20 : i32
    %sign3A_22 = arith.extui %sign3A_21 : i1 to i32
    %sign3A_23 = arith.subi %sign3A_19, %sign3A_22 : i32
    %ne3A_24 = arith.cmpi ne, %sign3A_16, %sign3A_23 : i32
    %rem3A_25 = arith.remsi %add3A, %jit3A_10 : i32
    %ne3A_26 = arith.constant 0 : i32
    %ne3A_27 = arith.cmpi ne, %rem3A_25, %ne3A_26 : i32
    %and3A_28 = arith.andi %ne3A_24, %ne3A_27 : i1
    %sub3A = arith.constant 1 : i32
    %sub3A_29 = arith.subi %div3A, %sub3A : i32
    %select_n3A_30 = arith.select %and3A_28, %sub3A_29, %div3A : i32
    %mul3A_31 = arith.constant 5000 : i32
    %mul3A_32 = arith.muli %select_n3A_30, %mul3A_31 : i32
    %mul3A_33 = arith.constant 10000 : i32
    %mul3A_34 = arith.muli %select_n3A_9, %mul3A_33 : i32
    %add3A_35 = arith.addi %mul3A_34, %mul3A_32 : i32
    "tpu.region"() ({
      %run_scoped3A = tpu.sem_alloc : memref<!tpu.dma_semaphore, #tpu.memory_space<semaphore_mem>>
      %dma_start3A_85 = tpu.memref_slice %arg3[%add3A_35] : memref<160000xi32, #tpu.memory_space<hbm>> -> memref<5000xi32, #tpu.memory_space<hbm>>
      %dma_start3A_86 = tpu.memref_slice %arg3[%add3A_35] : memref<160000xi32, #tpu.memory_space<hbm>> -> memref<5000xi32, #tpu.memory_space<hbm>>
      tpu.enqueue_dma source(%dma_start3A_86 : memref<5000xi32, #tpu.memory_space<hbm>>) target(%arg5 : memref<5000xi32, #tpu.memory_space<vmem>>) target_semaphore(%run_scoped3A : memref<!tpu.dma_semaphore, #tpu.memory_space<semaphore_mem>>)
      %dma_wait3A_87 = tpu.memref_slice %arg3[%add3A_35] : memref<160000xi32, #tpu.memory_space<hbm>> -> memref<5000xi32, #tpu.memory_space<hbm>>
      %dma_wait3A_88 = tpu.memref_slice %arg3[%add3A_35] : memref<160000xi32, #tpu.memory_space<hbm>> -> memref<5000xi32, #tpu.memory_space<hbm>>
      tpu.wait_dma2 semaphore(%run_scoped3A : memref<!tpu.dma_semaphore, #tpu.memory_space<semaphore_mem>>) src(%dma_wait3A_88 : memref<5000xi32, #tpu.memory_space<hbm>>) dst(%arg5 : memref<5000xi32, #tpu.memory_space<vmem>>)
      tpu.yield
    }) : () -> ()
    %dma_start3A = arith.constant 0 : i32
    %dma_start3A_36 = arith.constant 0 : i32
    %dma_start3A_37 = tpu.memref_slice %arg2[%dma_start3A, %dma_start3A_36] : memref<10001x16xf32, #tpu.memory_space<hbm>> -> memref<10001x16xf32, #tpu.memory_space<hbm>>
    tpu.enqueue_indirect_dma source(%dma_start3A_37 : memref<10001x16xf32, #tpu.memory_space<hbm>>) target(%arg6 : memref<5000x16xf32, #tpu.memory_space<vmem>>) offsets(%arg5 : memref<5000xi32, #tpu.memory_space<vmem>>) semaphore(%arg7 : memref<!tpu.dma_semaphore, #tpu.memory_space<semaphore_mem>>)
    %dma_wait3A = arith.constant 0 : i32
    %dma_wait3A_38 = arith.constant 0 : i32
    %dma_wait3A_39 = tpu.memref_slice %arg2[%dma_wait3A, %dma_wait3A_38] : memref<10001x16xf32, #tpu.memory_space<hbm>> -> memref<10001x16xf32, #tpu.memory_space<hbm>>
    tpu.wait_indirect_dma semaphore(%arg7 : memref<!tpu.dma_semaphore, #tpu.memory_space<semaphore_mem>>) src(%dma_wait3A_39 : memref<10001x16xf32, #tpu.memory_space<hbm>>) dst(%arg6 : memref<5000x16xf32, #tpu.memory_space<vmem>>)
    %jit3A_40 = arith.constant 8 : i32
    %div3A_41 = arith.divsi %select_n3A_9, %jit3A_40 : i32
    %sign3A_42 = arith.constant 0 : i32
    %sign3A_43 = arith.cmpi sgt, %select_n3A_9, %sign3A_42 : i32
    %sign3A_44 = arith.extui %sign3A_43 : i1 to i32
    %sign3A_45 = arith.constant 0 : i32
    %sign3A_46 = arith.cmpi slt, %select_n3A_9, %sign3A_45 : i32
    %sign3A_47 = arith.extui %sign3A_46 : i1 to i32
    %sign3A_48 = arith.subi %sign3A_44, %sign3A_47 : i32
    %sign3A_49 = arith.constant 0 : i32
    %sign3A_50 = arith.cmpi sgt, %jit3A_40, %sign3A_49 : i32
    %sign3A_51 = arith.extui %sign3A_50 : i1 to i32
    %sign3A_52 = arith.constant 0 : i32
    %sign3A_53 = arith.cmpi slt, %jit3A_40, %sign3A_52 : i32
    %sign3A_54 = arith.extui %sign3A_53 : i1 to i32
    %sign3A_55 = arith.subi %sign3A_51, %sign3A_54 : i32
    %ne3A_56 = arith.cmpi ne, %sign3A_48, %sign3A_55 : i32
    %rem3A_57 = arith.remsi %select_n3A_9, %jit3A_40 : i32
    %ne3A_58 = arith.constant 0 : i32
    %ne3A_59 = arith.cmpi ne, %rem3A_57, %ne3A_58 : i32
    %and3A_60 = arith.andi %ne3A_56, %ne3A_59 : i1
    %sub3A_61 = arith.constant 1 : i32
    %sub3A_62 = arith.subi %div3A_41, %sub3A_61 : i32
    %select_n3A_63 = arith.select %and3A_60, %sub3A_62, %div3A_41 : i32
    %mul3A_64 = arith.constant 10000 : i32
    %mul3A_65 = arith.muli %select_n3A_63, %mul3A_64 : i32
    %add3A_66 = arith.addi %mul3A_65, %mul3A_32 : i32
    %jit3A_67 = arith.constant 8 : i32
    %eq3A_68 = arith.constant 0 : i32
    %eq3A_69 = arith.cmpi eq, %jit3A_67, %eq3A_68 : i32
    %jit3A_70 = arith.constant 1 : i32
    %select_n3A_71 = arith.select %eq3A_69, %jit3A_70, %jit3A_67 : i32
    %rem3A_72 = arith.remsi %select_n3A_9, %select_n3A_71 : i32
    %ne3A_73 = arith.constant 0 : i32
    %ne3A_74 = arith.cmpi ne, %rem3A_72, %ne3A_73 : i32
    %lt3A_75 = arith.constant 0 : i32
    %lt3A_76 = arith.cmpi slt, %rem3A_72, %lt3A_75 : i32
    %lt3A_77 = arith.constant 0 : i32
    %lt3A_78 = arith.cmpi slt, %select_n3A_71, %lt3A_77 : i32
    %ne3A_79 = arith.xori %lt3A_76, %lt3A_78 : i1
    %and3A_80 = arith.andi %ne3A_79, %ne3A_74 : i1
    %add3A_81 = arith.addi %rem3A_72, %select_n3A_71 : i32
    %select_n3A_82 = arith.select %and3A_80, %add3A_81, %rem3A_72 : i32
    %mul3A_83 = arith.constant 16 : i32
    %mul3A_84 = arith.muli %select_n3A_82, %mul3A_83 : i32
    "tpu.region"() ({
      %run_scoped3A = tpu.sem_alloc : memref<!tpu.dma_semaphore, #tpu.memory_space<semaphore_mem>>
      %dma_start3A_85 = tpu.memref_slice %arg4[%add3A_66, %mul3A_84] : memref<20000x128xf32, #tpu.memory_space<hbm>> -> memref<5000x16xf32, #tpu.memory_space<hbm>>
      %dma_start3A_86 = tpu.memref_slice %arg4[%add3A_66, %mul3A_84] : memref<20000x128xf32, #tpu.memory_space<hbm>> -> memref<5000x16xf32, #tpu.memory_space<hbm>>
      tpu.enqueue_dma source(%arg6 : memref<5000x16xf32, #tpu.memory_space<vmem>>) target(%dma_start3A_86 : memref<5000x16xf32, #tpu.memory_space<hbm>>) target_semaphore(%run_scoped3A : memref<!tpu.dma_semaphore, #tpu.memory_space<semaphore_mem>>)
      %dma_wait3A_87 = tpu.memref_slice %arg4[%add3A_66, %mul3A_84] : memref<20000x128xf32, #tpu.memory_space<hbm>> -> memref<5000x16xf32, #tpu.memory_space<hbm>>
      %dma_wait3A_88 = tpu.memref_slice %arg4[%add3A_66, %mul3A_84] : memref<20000x128xf32, #tpu.memory_space<hbm>> -> memref<5000x16xf32, #tpu.memory_space<hbm>>
      tpu.wait_dma2 semaphore(%run_scoped3A : memref<!tpu.dma_semaphore, #tpu.memory_space<semaphore_mem>>) src(%arg6 : memref<5000x16xf32, #tpu.memory_space<vmem>>) dst(%dma_wait3A_88 : memref<5000x16xf32, #tpu.memory_space<hbm>>)
      tpu.yield
    }) : () -> ()
    return
  }
}

module attributes {stable_mosaic.version = 14 : i64} {
  func.func @_tc_body(%arg0: i32, %arg1: memref<1x2000x128xf32, #tpu.memory_space<vmem>>, %arg2: memref<1x2000x128xf32, #tpu.memory_space<vmem>>, %arg3: memref<1x2000x16xf32, #tpu.memory_space<vmem>>, %arg4: memref<2000x16xi32, #tpu.memory_space<vmem>>, %arg5: memref<256x16xf32, #tpu.memory_space<vmem>>, %arg6: memref<16x256xf32, #tpu.memory_space<vmem>>, %arg7: memref<16x256xf32, #tpu.memory_space<vmem>>, %arg8: memref<16x128xf32, #tpu.memory_space<vmem>>, %arg9: memref<8x128xf32, #tpu.memory_space<vmem>>, %arg10: memref<128x8xf32, #tpu.memory_space<vmem>>, %arg11: memref<1x2000x16xf32, #tpu.memory_space<vmem>>) attributes {dimension_semantics = [#tpu.dimension_semantics<arbitrary>], iteration_bounds = array<i64: 5>, scalar_prefetch = 0 : i64, scratch_operands = 0 : i64, tpu.core_type = #tpu.core_type<tc>, window_params = [{transform_indices = @transform_0, window_bounds = array<i64: 1, 2000, 128>}, {transform_indices = @transform_1, window_bounds = array<i64: 1, 2000, 128>}, {transform_indices = @transform_2, window_bounds = array<i64: 1, 2000, 16>}, {transform_indices = @transform_3, window_bounds = array<i64: 2000, 16>}, {pipeline_mode = #tpu.pipeline_mode<synchronous>, transform_indices = @transform_4, window_bounds = array<i64: 256, 16>}, {pipeline_mode = #tpu.pipeline_mode<synchronous>, transform_indices = @transform_5, window_bounds = array<i64: 16, 256>}, {pipeline_mode = #tpu.pipeline_mode<synchronous>, transform_indices = @transform_6, window_bounds = array<i64: 16, 256>}, {pipeline_mode = #tpu.pipeline_mode<synchronous>, transform_indices = @transform_7, window_bounds = array<i64: 16, 128>}, {pipeline_mode = #tpu.pipeline_mode<synchronous>, transform_indices = @transform_8, window_bounds = array<i64: 8, 128>}, {pipeline_mode = #tpu.pipeline_mode<synchronous>, transform_indices = @transform_9, window_bounds = array<i64: 128, 8>}, {transform_indices = @transform_10, window_bounds = array<i64: 1, 2000, 16>}]} {
    %get3A = arith.constant 0 : index
    %get3A_0 = arith.constant 0 : index
    %get3A_1 = arith.constant 0 : index
    %get3A_2 = vector.load %arg1[%get3A, %get3A_0, %get3A_1] : memref<1x2000x128xf32, #tpu.memory_space<vmem>>, vector<1x2000x128xf32>
    %get3A_3 = vector.shape_cast %get3A_2 : vector<1x2000x128xf32> to vector<2000x128xf32>
    %get3A_4 = arith.constant 0 : index
    %get3A_5 = arith.constant 0 : index
    %get3A_6 = arith.constant 0 : index
    %get3A_7 = vector.load %arg2[%get3A_4, %get3A_5, %get3A_6] : memref<1x2000x128xf32, #tpu.memory_space<vmem>>, vector<1x2000x128xf32>
    %get3A_8 = vector.shape_cast %get3A_7 : vector<1x2000x128xf32> to vector<2000x128xf32>
    %get3A_9 = arith.constant 0 : index
    %get3A_10 = arith.constant 0 : index
    %get3A_11 = arith.constant 0 : index
    %get3A_12 = vector.load %arg3[%get3A_9, %get3A_10, %get3A_11] : memref<1x2000x16xf32, #tpu.memory_space<vmem>>, vector<1x2000x16xf32>
    %get3A_13 = vector.shape_cast %get3A_12 : vector<1x2000x16xf32> to vector<2000x16xf32>
    %get3A_14 = arith.constant 0 : index
    %get3A_15 = arith.constant 0 : index
    %get3A_16 = vector.load %arg4[%get3A_14, %get3A_15] : memref<2000x16xi32, #tpu.memory_space<vmem>>, vector<2000x16xi32>
    %get3A_17 = arith.constant 0 : index
    %get3A_18 = arith.constant 0 : index
    %get3A_19 = vector.load %arg5[%get3A_17, %get3A_18] : memref<256x16xf32, #tpu.memory_space<vmem>>, vector<256x16xf32>
    %get3A_20 = arith.constant 0 : index
    %get3A_21 = arith.constant 0 : index
    %get3A_22 = vector.load %arg6[%get3A_20, %get3A_21] : memref<16x256xf32, #tpu.memory_space<vmem>>, vector<16x256xf32>
    %get3A_23 = arith.constant 0 : index
    %get3A_24 = arith.constant 0 : index
    %get3A_25 = vector.load %arg7[%get3A_23, %get3A_24] : memref<16x256xf32, #tpu.memory_space<vmem>>, vector<16x256xf32>
    %get3A_26 = arith.constant 0 : index
    %get3A_27 = arith.constant 0 : index
    %get3A_28 = vector.load %arg8[%get3A_26, %get3A_27] : memref<16x128xf32, #tpu.memory_space<vmem>>, vector<16x128xf32>
    %get3A_29 = arith.constant 0 : index
    %get3A_30 = arith.constant 0 : index
    %get3A_31 = vector.load %arg9[%get3A_29, %get3A_30] : memref<8x128xf32, #tpu.memory_space<vmem>>, vector<8x128xf32>
    %get3A_32 = arith.constant 0 : index
    %get3A_33 = arith.constant 0 : index
    %get3A_34 = vector.load %arg10[%get3A_32, %get3A_33] : memref<128x8xf32, #tpu.memory_space<vmem>>, vector<128x8xf32>
    %dot_general3A = arith.constant dense<0.000000e+00> : vector<2000x128xf32>
    %dot_general3A_35 = tpu.matmul %get3A_13, %get3A_28, %dot_general3A {dimension_numbers = #tpu.dot_dimension_numbers<[1], [0], [0], [1], [0, 0, 1, 1], [], []>, transpose_lhs_hint = false} : vector<2000x16xf32>, vector<16x128xf32>, vector<2000x128xf32> -> vector<2000x128xf32>
    %sub3A = arith.subf %dot_general3A_35, %get3A_3 : vector<2000x128xf32>
    %exp3A = math.exp %sub3A : vector<2000x128xf32>
    %sub3A_36 = arith.subf %dot_general3A_35, %get3A_8 : vector<2000x128xf32>
    %exp3A_37 = math.exp %sub3A_36 : vector<2000x128xf32>
    %dot_general3A_38 = arith.constant dense<0.000000e+00> : vector<2000x8xf32>
    %dot_general3A_39 = tpu.matmul %exp3A, %get3A_34, %dot_general3A_38 {dimension_numbers = #tpu.dot_dimension_numbers<[1], [0], [0], [1], [0, 0, 1, 1], [], []>, transpose_lhs_hint = false} : vector<2000x128xf32>, vector<128x8xf32>, vector<2000x8xf32> -> vector<2000x8xf32>
    %dot_general3A_40 = arith.constant dense<0.000000e+00> : vector<2000x8xf32>
    %dot_general3A_41 = tpu.matmul %exp3A_37, %get3A_34, %dot_general3A_40 {dimension_numbers = #tpu.dot_dimension_numbers<[1], [0], [0], [1], [0, 0, 1, 1], [], []>, transpose_lhs_hint = false} : vector<2000x128xf32>, vector<128x8xf32>, vector<2000x8xf32> -> vector<2000x8xf32>
    %div3A = arith.constant 1.000000e+00 : f32
    %div3A_42 = vector.broadcast %div3A : f32 to vector<2000x8xf32>
    %div3A_43 = arith.divf %div3A_42, %dot_general3A_39 : vector<2000x8xf32>
    %dot_general3A_44 = arith.constant dense<0.000000e+00> : vector<2000x128xf32>
    %dot_general3A_45 = tpu.matmul %div3A_43, %get3A_31, %dot_general3A_44 {dimension_numbers = #tpu.dot_dimension_numbers<[1], [0], [0], [1], [0, 0, 1, 1], [], []>, transpose_lhs_hint = false} : vector<2000x8xf32>, vector<8x128xf32>, vector<2000x128xf32> -> vector<2000x128xf32>
    %mul3A = arith.mulf %exp3A, %dot_general3A_45 : vector<2000x128xf32>
    %div3A_46 = arith.constant 1.000000e+00 : f32
    %div3A_47 = vector.broadcast %div3A_46 : f32 to vector<2000x8xf32>
    %div3A_48 = arith.divf %div3A_47, %dot_general3A_41 : vector<2000x8xf32>
    %dot_general3A_49 = arith.constant dense<0.000000e+00> : vector<2000x128xf32>
    %dot_general3A_50 = tpu.matmul %div3A_48, %get3A_31, %dot_general3A_49 {dimension_numbers = #tpu.dot_dimension_numbers<[1], [0], [0], [1], [0, 0, 1, 1], [], []>, transpose_lhs_hint = false} : vector<2000x8xf32>, vector<8x128xf32>, vector<2000x128xf32> -> vector<2000x128xf32>
    %mul3A_51 = arith.mulf %exp3A_37, %dot_general3A_50 : vector<2000x128xf32>
    %slice3A = vector.extract_strided_slice %mul3A {offsets = [0, 0], sizes = [2000, 16], strides = [1, 1]} : vector<2000x128xf32> to vector<2000x16xf32>
    %dot_general3A_52 = arith.constant dense<0.000000e+00> : vector<2000x256xf32>
    %dot_general3A_53 = tpu.matmul %slice3A, %get3A_25, %dot_general3A_52 {dimension_numbers = #tpu.dot_dimension_numbers<[1], [0], [0], [1], [0, 0, 1, 1], [], []>, transpose_lhs_hint = false} : vector<2000x16xf32>, vector<16x256xf32>, vector<2000x256xf32> -> vector<2000x256xf32>
    %slice3A_54 = vector.extract_strided_slice %get3A_3 {offsets = [0, 0], sizes = [2000, 16], strides = [1, 1]} : vector<2000x128xf32> to vector<2000x16xf32>
    %dot_general3A_55 = arith.constant dense<0.000000e+00> : vector<2000x256xf32>
    %dot_general3A_56 = tpu.matmul %slice3A_54, %get3A_22, %dot_general3A_55 {dimension_numbers = #tpu.dot_dimension_numbers<[1], [0], [0], [1], [0, 0, 1, 1], [], []>, transpose_lhs_hint = false} : vector<2000x16xf32>, vector<16x256xf32>, vector<2000x256xf32> -> vector<2000x256xf32>
    %mul3A_57 = arith.mulf %dot_general3A_53, %dot_general3A_56 : vector<2000x256xf32>
    %slice3A_58 = vector.extract_strided_slice %mul3A_51 {offsets = [0, 0], sizes = [2000, 16], strides = [1, 1]} : vector<2000x128xf32> to vector<2000x16xf32>
    %dot_general3A_59 = arith.constant dense<0.000000e+00> : vector<2000x256xf32>
    %dot_general3A_60 = tpu.matmul %slice3A_58, %get3A_25, %dot_general3A_59 {dimension_numbers = #tpu.dot_dimension_numbers<[1], [0], [0], [1], [0, 0, 1, 1], [], []>, transpose_lhs_hint = false} : vector<2000x16xf32>, vector<16x256xf32>, vector<2000x256xf32> -> vector<2000x256xf32>
    %slice3A_61 = vector.extract_strided_slice %get3A_8 {offsets = [0, 0], sizes = [2000, 16], strides = [1, 1]} : vector<2000x128xf32> to vector<2000x16xf32>
    %dot_general3A_62 = arith.constant dense<0.000000e+00> : vector<2000x256xf32>
    %dot_general3A_63 = tpu.matmul %slice3A_61, %get3A_22, %dot_general3A_62 {dimension_numbers = #tpu.dot_dimension_numbers<[1], [0], [0], [1], [0, 0, 1, 1], [], []>, transpose_lhs_hint = false} : vector<2000x16xf32>, vector<16x256xf32>, vector<2000x256xf32> -> vector<2000x256xf32>
    %mul3A_64 = arith.mulf %dot_general3A_60, %dot_general3A_63 : vector<2000x256xf32>
    %add3A = arith.addf %mul3A_57, %mul3A_64 : vector<2000x256xf32>
    %slice3A_65 = vector.extract_strided_slice %mul3A {offsets = [0, 16], sizes = [2000, 16], strides = [1, 1]} : vector<2000x128xf32> to vector<2000x16xf32>
    %dot_general3A_66 = arith.constant dense<0.000000e+00> : vector<2000x256xf32>
    %dot_general3A_67 = tpu.matmul %slice3A_65, %get3A_25, %dot_general3A_66 {dimension_numbers = #tpu.dot_dimension_numbers<[1], [0], [0], [1], [0, 0, 1, 1], [], []>, transpose_lhs_hint = false} : vector<2000x16xf32>, vector<16x256xf32>, vector<2000x256xf32> -> vector<2000x256xf32>
    %slice3A_68 = vector.extract_strided_slice %get3A_3 {offsets = [0, 16], sizes = [2000, 16], strides = [1, 1]} : vector<2000x128xf32> to vector<2000x16xf32>
    %dot_general3A_69 = arith.constant dense<0.000000e+00> : vector<2000x256xf32>
    %dot_general3A_70 = tpu.matmul %slice3A_68, %get3A_22, %dot_general3A_69 {dimension_numbers = #tpu.dot_dimension_numbers<[1], [0], [0], [1], [0, 0, 1, 1], [], []>, transpose_lhs_hint = false} : vector<2000x16xf32>, vector<16x256xf32>, vector<2000x256xf32> -> vector<2000x256xf32>
    %mul3A_71 = arith.mulf %dot_general3A_67, %dot_general3A_70 : vector<2000x256xf32>
    %add3A_72 = arith.addf %add3A, %mul3A_71 : vector<2000x256xf32>
    %slice3A_73 = vector.extract_strided_slice %mul3A_51 {offsets = [0, 16], sizes = [2000, 16], strides = [1, 1]} : vector<2000x128xf32> to vector<2000x16xf32>
    %dot_general3A_74 = arith.constant dense<0.000000e+00> : vector<2000x256xf32>
    %dot_general3A_75 = tpu.matmul %slice3A_73, %get3A_25, %dot_general3A_74 {dimension_numbers = #tpu.dot_dimension_numbers<[1], [0], [0], [1], [0, 0, 1, 1], [], []>, transpose_lhs_hint = false} : vector<2000x16xf32>, vector<16x256xf32>, vector<2000x256xf32> -> vector<2000x256xf32>
    %slice3A_76 = vector.extract_strided_slice %get3A_8 {offsets = [0, 16], sizes = [2000, 16], strides = [1, 1]} : vector<2000x128xf32> to vector<2000x16xf32>
    %dot_general3A_77 = arith.constant dense<0.000000e+00> : vector<2000x256xf32>
    %dot_general3A_78 = tpu.matmul %slice3A_76, %get3A_22, %dot_general3A_77 {dimension_numbers = #tpu.dot_dimension_numbers<[1], [0], [0], [1], [0, 0, 1, 1], [], []>, transpose_lhs_hint = false} : vector<2000x16xf32>, vector<16x256xf32>, vector<2000x256xf32> -> vector<2000x256xf32>
    %mul3A_79 = arith.mulf %dot_general3A_75, %dot_general3A_78 : vector<2000x256xf32>
    %add3A_80 = arith.addf %add3A_72, %mul3A_79 : vector<2000x256xf32>
    %slice3A_81 = vector.extract_strided_slice %mul3A {offsets = [0, 32], sizes = [2000, 16], strides = [1, 1]} : vector<2000x128xf32> to vector<2000x16xf32>
    %dot_general3A_82 = arith.constant dense<0.000000e+00> : vector<2000x256xf32>
    %dot_general3A_83 = tpu.matmul %slice3A_81, %get3A_25, %dot_general3A_82 {dimension_numbers = #tpu.dot_dimension_numbers<[1], [0], [0], [1], [0, 0, 1, 1], [], []>, transpose_lhs_hint = false} : vector<2000x16xf32>, vector<16x256xf32>, vector<2000x256xf32> -> vector<2000x256xf32>
    %slice3A_84 = vector.extract_strided_slice %get3A_3 {offsets = [0, 32], sizes = [2000, 16], strides = [1, 1]} : vector<2000x128xf32> to vector<2000x16xf32>
    %dot_general3A_85 = arith.constant dense<0.000000e+00> : vector<2000x256xf32>
    %dot_general3A_86 = tpu.matmul %slice3A_84, %get3A_22, %dot_general3A_85 {dimension_numbers = #tpu.dot_dimension_numbers<[1], [0], [0], [1], [0, 0, 1, 1], [], []>, transpose_lhs_hint = false} : vector<2000x16xf32>, vector<16x256xf32>, vector<2000x256xf32> -> vector<2000x256xf32>
    %mul3A_87 = arith.mulf %dot_general3A_83, %dot_general3A_86 : vector<2000x256xf32>
    %add3A_88 = arith.addf %add3A_80, %mul3A_87 : vector<2000x256xf32>
    %slice3A_89 = vector.extract_strided_slice %mul3A_51 {offsets = [0, 32], sizes = [2000, 16], strides = [1, 1]} : vector<2000x128xf32> to vector<2000x16xf32>
    %dot_general3A_90 = arith.constant dense<0.000000e+00> : vector<2000x256xf32>
    %dot_general3A_91 = tpu.matmul %slice3A_89, %get3A_25, %dot_general3A_90 {dimension_numbers = #tpu.dot_dimension_numbers<[1], [0], [0], [1], [0, 0, 1, 1], [], []>, transpose_lhs_hint = false} : vector<2000x16xf32>, vector<16x256xf32>, vector<2000x256xf32> -> vector<2000x256xf32>
    %slice3A_92 = vector.extract_strided_slice %get3A_8 {offsets = [0, 32], sizes = [2000, 16], strides = [1, 1]} : vector<2000x128xf32> to vector<2000x16xf32>
    %dot_general3A_93 = arith.constant dense<0.000000e+00> : vector<2000x256xf32>
    %dot_general3A_94 = tpu.matmul %slice3A_92, %get3A_22, %dot_general3A_93 {dimension_numbers = #tpu.dot_dimension_numbers<[1], [0], [0], [1], [0, 0, 1, 1], [], []>, transpose_lhs_hint = false} : vector<2000x16xf32>, vector<16x256xf32>, vector<2000x256xf32> -> vector<2000x256xf32>
    %mul3A_95 = arith.mulf %dot_general3A_91, %dot_general3A_94 : vector<2000x256xf32>
    %add3A_96 = arith.addf %add3A_88, %mul3A_95 : vector<2000x256xf32>
    %slice3A_97 = vector.extract_strided_slice %mul3A {offsets = [0, 48], sizes = [2000, 16], strides = [1, 1]} : vector<2000x128xf32> to vector<2000x16xf32>
    %dot_general3A_98 = arith.constant dense<0.000000e+00> : vector<2000x256xf32>
    %dot_general3A_99 = tpu.matmul %slice3A_97, %get3A_25, %dot_general3A_98 {dimension_numbers = #tpu.dot_dimension_numbers<[1], [0], [0], [1], [0, 0, 1, 1], [], []>, transpose_lhs_hint = false} : vector<2000x16xf32>, vector<16x256xf32>, vector<2000x256xf32> -> vector<2000x256xf32>
    %slice3A_100 = vector.extract_strided_slice %get3A_3 {offsets = [0, 48], sizes = [2000, 16], strides = [1, 1]} : vector<2000x128xf32> to vector<2000x16xf32>
    %dot_general3A_101 = arith.constant dense<0.000000e+00> : vector<2000x256xf32>
    %dot_general3A_102 = tpu.matmul %slice3A_100, %get3A_22, %dot_general3A_101 {dimension_numbers = #tpu.dot_dimension_numbers<[1], [0], [0], [1], [0, 0, 1, 1], [], []>, transpose_lhs_hint = false} : vector<2000x16xf32>, vector<16x256xf32>, vector<2000x256xf32> -> vector<2000x256xf32>
    %mul3A_103 = arith.mulf %dot_general3A_99, %dot_general3A_102 : vector<2000x256xf32>
    %add3A_104 = arith.addf %add3A_96, %mul3A_103 : vector<2000x256xf32>
    %slice3A_105 = vector.extract_strided_slice %mul3A_51 {offsets = [0, 48], sizes = [2000, 16], strides = [1, 1]} : vector<2000x128xf32> to vector<2000x16xf32>
    %dot_general3A_106 = arith.constant dense<0.000000e+00> : vector<2000x256xf32>
    %dot_general3A_107 = tpu.matmul %slice3A_105, %get3A_25, %dot_general3A_106 {dimension_numbers = #tpu.dot_dimension_numbers<[1], [0], [0], [1], [0, 0, 1, 1], [], []>, transpose_lhs_hint = false} : vector<2000x16xf32>, vector<16x256xf32>, vector<2000x256xf32> -> vector<2000x256xf32>
    %slice3A_108 = vector.extract_strided_slice %get3A_8 {offsets = [0, 48], sizes = [2000, 16], strides = [1, 1]} : vector<2000x128xf32> to vector<2000x16xf32>
    %dot_general3A_109 = arith.constant dense<0.000000e+00> : vector<2000x256xf32>
    %dot_general3A_110 = tpu.matmul %slice3A_108, %get3A_22, %dot_general3A_109 {dimension_numbers = #tpu.dot_dimension_numbers<[1], [0], [0], [1], [0, 0, 1, 1], [], []>, transpose_lhs_hint = false} : vector<2000x16xf32>, vector<16x256xf32>, vector<2000x256xf32> -> vector<2000x256xf32>
    %mul3A_111 = arith.mulf %dot_general3A_107, %dot_general3A_110 : vector<2000x256xf32>
    %add3A_112 = arith.addf %add3A_104, %mul3A_111 : vector<2000x256xf32>
    %slice3A_113 = vector.extract_strided_slice %mul3A {offsets = [0, 64], sizes = [2000, 16], strides = [1, 1]} : vector<2000x128xf32> to vector<2000x16xf32>
    %dot_general3A_114 = arith.constant dense<0.000000e+00> : vector<2000x256xf32>
    %dot_general3A_115 = tpu.matmul %slice3A_113, %get3A_25, %dot_general3A_114 {dimension_numbers = #tpu.dot_dimension_numbers<[1], [0], [0], [1], [0, 0, 1, 1], [], []>, transpose_lhs_hint = false} : vector<2000x16xf32>, vector<16x256xf32>, vector<2000x256xf32> -> vector<2000x256xf32>
    %slice3A_116 = vector.extract_strided_slice %get3A_3 {offsets = [0, 64], sizes = [2000, 16], strides = [1, 1]} : vector<2000x128xf32> to vector<2000x16xf32>
    %dot_general3A_117 = arith.constant dense<0.000000e+00> : vector<2000x256xf32>
    %dot_general3A_118 = tpu.matmul %slice3A_116, %get3A_22, %dot_general3A_117 {dimension_numbers = #tpu.dot_dimension_numbers<[1], [0], [0], [1], [0, 0, 1, 1], [], []>, transpose_lhs_hint = false} : vector<2000x16xf32>, vector<16x256xf32>, vector<2000x256xf32> -> vector<2000x256xf32>
    %mul3A_119 = arith.mulf %dot_general3A_115, %dot_general3A_118 : vector<2000x256xf32>
    %add3A_120 = arith.addf %add3A_112, %mul3A_119 : vector<2000x256xf32>
    %slice3A_121 = vector.extract_strided_slice %mul3A_51 {offsets = [0, 64], sizes = [2000, 16], strides = [1, 1]} : vector<2000x128xf32> to vector<2000x16xf32>
    %dot_general3A_122 = arith.constant dense<0.000000e+00> : vector<2000x256xf32>
    %dot_general3A_123 = tpu.matmul %slice3A_121, %get3A_25, %dot_general3A_122 {dimension_numbers = #tpu.dot_dimension_numbers<[1], [0], [0], [1], [0, 0, 1, 1], [], []>, transpose_lhs_hint = false} : vector<2000x16xf32>, vector<16x256xf32>, vector<2000x256xf32> -> vector<2000x256xf32>
    %slice3A_124 = vector.extract_strided_slice %get3A_8 {offsets = [0, 64], sizes = [2000, 16], strides = [1, 1]} : vector<2000x128xf32> to vector<2000x16xf32>
    %dot_general3A_125 = arith.constant dense<0.000000e+00> : vector<2000x256xf32>
    %dot_general3A_126 = tpu.matmul %slice3A_124, %get3A_22, %dot_general3A_125 {dimension_numbers = #tpu.dot_dimension_numbers<[1], [0], [0], [1], [0, 0, 1, 1], [], []>, transpose_lhs_hint = false} : vector<2000x16xf32>, vector<16x256xf32>, vector<2000x256xf32> -> vector<2000x256xf32>
    %mul3A_127 = arith.mulf %dot_general3A_123, %dot_general3A_126 : vector<2000x256xf32>
    %add3A_128 = arith.addf %add3A_120, %mul3A_127 : vector<2000x256xf32>
    %slice3A_129 = vector.extract_strided_slice %mul3A {offsets = [0, 80], sizes = [2000, 16], strides = [1, 1]} : vector<2000x128xf32> to vector<2000x16xf32>
    %dot_general3A_130 = arith.constant dense<0.000000e+00> : vector<2000x256xf32>
    %dot_general3A_131 = tpu.matmul %slice3A_129, %get3A_25, %dot_general3A_130 {dimension_numbers = #tpu.dot_dimension_numbers<[1], [0], [0], [1], [0, 0, 1, 1], [], []>, transpose_lhs_hint = false} : vector<2000x16xf32>, vector<16x256xf32>, vector<2000x256xf32> -> vector<2000x256xf32>
    %slice3A_132 = vector.extract_strided_slice %get3A_3 {offsets = [0, 80], sizes = [2000, 16], strides = [1, 1]} : vector<2000x128xf32> to vector<2000x16xf32>
    %dot_general3A_133 = arith.constant dense<0.000000e+00> : vector<2000x256xf32>
    %dot_general3A_134 = tpu.matmul %slice3A_132, %get3A_22, %dot_general3A_133 {dimension_numbers = #tpu.dot_dimension_numbers<[1], [0], [0], [1], [0, 0, 1, 1], [], []>, transpose_lhs_hint = false} : vector<2000x16xf32>, vector<16x256xf32>, vector<2000x256xf32> -> vector<2000x256xf32>
    %mul3A_135 = arith.mulf %dot_general3A_131, %dot_general3A_134 : vector<2000x256xf32>
    %add3A_136 = arith.addf %add3A_128, %mul3A_135 : vector<2000x256xf32>
    %slice3A_137 = vector.extract_strided_slice %mul3A_51 {offsets = [0, 80], sizes = [2000, 16], strides = [1, 1]} : vector<2000x128xf32> to vector<2000x16xf32>
    %dot_general3A_138 = arith.constant dense<0.000000e+00> : vector<2000x256xf32>
    %dot_general3A_139 = tpu.matmul %slice3A_137, %get3A_25, %dot_general3A_138 {dimension_numbers = #tpu.dot_dimension_numbers<[1], [0], [0], [1], [0, 0, 1, 1], [], []>, transpose_lhs_hint = false} : vector<2000x16xf32>, vector<16x256xf32>, vector<2000x256xf32> -> vector<2000x256xf32>
    %slice3A_140 = vector.extract_strided_slice %get3A_8 {offsets = [0, 80], sizes = [2000, 16], strides = [1, 1]} : vector<2000x128xf32> to vector<2000x16xf32>
    %dot_general3A_141 = arith.constant dense<0.000000e+00> : vector<2000x256xf32>
    %dot_general3A_142 = tpu.matmul %slice3A_140, %get3A_22, %dot_general3A_141 {dimension_numbers = #tpu.dot_dimension_numbers<[1], [0], [0], [1], [0, 0, 1, 1], [], []>, transpose_lhs_hint = false} : vector<2000x16xf32>, vector<16x256xf32>, vector<2000x256xf32> -> vector<2000x256xf32>
    %mul3A_143 = arith.mulf %dot_general3A_139, %dot_general3A_142 : vector<2000x256xf32>
    %add3A_144 = arith.addf %add3A_136, %mul3A_143 : vector<2000x256xf32>
    %slice3A_145 = vector.extract_strided_slice %mul3A {offsets = [0, 96], sizes = [2000, 16], strides = [1, 1]} : vector<2000x128xf32> to vector<2000x16xf32>
    %dot_general3A_146 = arith.constant dense<0.000000e+00> : vector<2000x256xf32>
    %dot_general3A_147 = tpu.matmul %slice3A_145, %get3A_25, %dot_general3A_146 {dimension_numbers = #tpu.dot_dimension_numbers<[1], [0], [0], [1], [0, 0, 1, 1], [], []>, transpose_lhs_hint = false} : vector<2000x16xf32>, vector<16x256xf32>, vector<2000x256xf32> -> vector<2000x256xf32>
    %slice3A_148 = vector.extract_strided_slice %get3A_3 {offsets = [0, 96], sizes = [2000, 16], strides = [1, 1]} : vector<2000x128xf32> to vector<2000x16xf32>
    %dot_general3A_149 = arith.constant dense<0.000000e+00> : vector<2000x256xf32>
    %dot_general3A_150 = tpu.matmul %slice3A_148, %get3A_22, %dot_general3A_149 {dimension_numbers = #tpu.dot_dimension_numbers<[1], [0], [0], [1], [0, 0, 1, 1], [], []>, transpose_lhs_hint = false} : vector<2000x16xf32>, vector<16x256xf32>, vector<2000x256xf32> -> vector<2000x256xf32>
    %mul3A_151 = arith.mulf %dot_general3A_147, %dot_general3A_150 : vector<2000x256xf32>
    %add3A_152 = arith.addf %add3A_144, %mul3A_151 : vector<2000x256xf32>
    %slice3A_153 = vector.extract_strided_slice %mul3A_51 {offsets = [0, 96], sizes = [2000, 16], strides = [1, 1]} : vector<2000x128xf32> to vector<2000x16xf32>
    %dot_general3A_154 = arith.constant dense<0.000000e+00> : vector<2000x256xf32>
    %dot_general3A_155 = tpu.matmul %slice3A_153, %get3A_25, %dot_general3A_154 {dimension_numbers = #tpu.dot_dimension_numbers<[1], [0], [0], [1], [0, 0, 1, 1], [], []>, transpose_lhs_hint = false} : vector<2000x16xf32>, vector<16x256xf32>, vector<2000x256xf32> -> vector<2000x256xf32>
    %slice3A_156 = vector.extract_strided_slice %get3A_8 {offsets = [0, 96], sizes = [2000, 16], strides = [1, 1]} : vector<2000x128xf32> to vector<2000x16xf32>
    %dot_general3A_157 = arith.constant dense<0.000000e+00> : vector<2000x256xf32>
    %dot_general3A_158 = tpu.matmul %slice3A_156, %get3A_22, %dot_general3A_157 {dimension_numbers = #tpu.dot_dimension_numbers<[1], [0], [0], [1], [0, 0, 1, 1], [], []>, transpose_lhs_hint = false} : vector<2000x16xf32>, vector<16x256xf32>, vector<2000x256xf32> -> vector<2000x256xf32>
    %mul3A_159 = arith.mulf %dot_general3A_155, %dot_general3A_158 : vector<2000x256xf32>
    %add3A_160 = arith.addf %add3A_152, %mul3A_159 : vector<2000x256xf32>
    %slice3A_161 = vector.extract_strided_slice %mul3A {offsets = [0, 112], sizes = [2000, 16], strides = [1, 1]} : vector<2000x128xf32> to vector<2000x16xf32>
    %dot_general3A_162 = arith.constant dense<0.000000e+00> : vector<2000x256xf32>
    %dot_general3A_163 = tpu.matmul %slice3A_161, %get3A_25, %dot_general3A_162 {dimension_numbers = #tpu.dot_dimension_numbers<[1], [0], [0], [1], [0, 0, 1, 1], [], []>, transpose_lhs_hint = false} : vector<2000x16xf32>, vector<16x256xf32>, vector<2000x256xf32> -> vector<2000x256xf32>
    %slice3A_164 = vector.extract_strided_slice %get3A_3 {offsets = [0, 112], sizes = [2000, 16], strides = [1, 1]} : vector<2000x128xf32> to vector<2000x16xf32>
    %dot_general3A_165 = arith.constant dense<0.000000e+00> : vector<2000x256xf32>
    %dot_general3A_166 = tpu.matmul %slice3A_164, %get3A_22, %dot_general3A_165 {dimension_numbers = #tpu.dot_dimension_numbers<[1], [0], [0], [1], [0, 0, 1, 1], [], []>, transpose_lhs_hint = false} : vector<2000x16xf32>, vector<16x256xf32>, vector<2000x256xf32> -> vector<2000x256xf32>
    %mul3A_167 = arith.mulf %dot_general3A_163, %dot_general3A_166 : vector<2000x256xf32>
    %add3A_168 = arith.addf %add3A_160, %mul3A_167 : vector<2000x256xf32>
    %slice3A_169 = vector.extract_strided_slice %mul3A_51 {offsets = [0, 112], sizes = [2000, 16], strides = [1, 1]} : vector<2000x128xf32> to vector<2000x16xf32>
    %dot_general3A_170 = arith.constant dense<0.000000e+00> : vector<2000x256xf32>
    %dot_general3A_171 = tpu.matmul %slice3A_169, %get3A_25, %dot_general3A_170 {dimension_numbers = #tpu.dot_dimension_numbers<[1], [0], [0], [1], [0, 0, 1, 1], [], []>, transpose_lhs_hint = false} : vector<2000x16xf32>, vector<16x256xf32>, vector<2000x256xf32> -> vector<2000x256xf32>
    %slice3A_172 = vector.extract_strided_slice %get3A_8 {offsets = [0, 112], sizes = [2000, 16], strides = [1, 1]} : vector<2000x128xf32> to vector<2000x16xf32>
    %dot_general3A_173 = arith.constant dense<0.000000e+00> : vector<2000x256xf32>
    %dot_general3A_174 = tpu.matmul %slice3A_172, %get3A_22, %dot_general3A_173 {dimension_numbers = #tpu.dot_dimension_numbers<[1], [0], [0], [1], [0, 0, 1, 1], [], []>, transpose_lhs_hint = false} : vector<2000x16xf32>, vector<16x256xf32>, vector<2000x256xf32> -> vector<2000x256xf32>
    %mul3A_175 = arith.mulf %dot_general3A_171, %dot_general3A_174 : vector<2000x256xf32>
    %add3A_176 = arith.addf %add3A_168, %mul3A_175 : vector<2000x256xf32>
    %dot_general3A_177 = arith.constant dense<0.000000e+00> : vector<2000x16xf32>
    %dot_general3A_178 = tpu.matmul %add3A_176, %get3A_19, %dot_general3A_177 {dimension_numbers = #tpu.dot_dimension_numbers<[1], [0], [0], [1], [0, 0, 1, 1], [], []>, transpose_lhs_hint = false} : vector<2000x256xf32>, vector<256x16xf32>, vector<2000x16xf32> -> vector<2000x16xf32>
    %ne3A = arith.constant 0 : i32
    %ne3A_179 = vector.broadcast %ne3A : i32 to vector<2000x16xi32>
    %ne3A_180 = arith.cmpi ne, %get3A_16, %ne3A_179 : vector<2000x16xi32>
    %convert_element_type3A = arith.extui %ne3A_180 : vector<2000x16xi1> to vector<2000x16xi32>
    %convert_element_type3A_181 = arith.sitofp %convert_element_type3A : vector<2000x16xi32> to vector<2000x16xf32>
    %reduce_sum3A = arith.constant dense<0.000000e+00> : vector<2000xf32>
    %reduce_sum3A_182 = vector.multi_reduction <add>, %convert_element_type3A_181, %reduce_sum3A [1] : vector<2000x16xf32> to vector<2000xf32>
    %broadcast_in_dim3A = vector.shape_cast %reduce_sum3A_182 : vector<2000xf32> to vector<2000x1xf32>
    %gt3A = arith.constant 0.000000e+00 : f32
    %gt3A_183 = vector.broadcast %gt3A : f32 to vector<2000x1xf32>
    %gt3A_184 = arith.cmpf ogt, %broadcast_in_dim3A, %gt3A_183 : vector<2000x1xf32>
    %div3A_185 = arith.constant 1.000000e+00 : f32
    %div3A_186 = vector.broadcast %div3A_185 : f32 to vector<2000x1xf32>
    %div3A_187 = arith.divf %div3A_186, %broadcast_in_dim3A : vector<2000x1xf32>
    %jit3A = arith.constant 0.000000e+00 : f32
    %broadcast_in_dim3A_188 = vector.broadcast %jit3A : f32 to vector<2000x1xf32>
    %select_n3A = arith.select %gt3A_184, %div3A_187, %broadcast_in_dim3A_188 : vector<2000x1xi1>, vector<2000x1xf32>
    %mul3A_189 = vector.broadcast %select_n3A : vector<2000x1xf32> to vector<2000x16xf32>
    %mul3A_190 = arith.mulf %dot_general3A_178, %mul3A_189 : vector<2000x16xf32>
    %max3A = arith.constant 0.000000e+00 : f32
    %max3A_191 = vector.broadcast %max3A : f32 to vector<2000x16xf32>
    %max3A_192 = arith.maximumf %mul3A_190, %max3A_191 : vector<2000x16xf32>
    %swap3A = arith.constant 0 : index
    %swap3A_193 = arith.constant 0 : index
    %swap3A_194 = arith.constant 0 : index
    %swap3A_195 = vector.load %arg11[%swap3A, %swap3A_193, %swap3A_194] : memref<1x2000x16xf32, #tpu.memory_space<vmem>>, vector<1x2000x16xf32>
    %swap3A_196 = vector.shape_cast %swap3A_195 : vector<1x2000x16xf32> to vector<2000x16xf32>
    %swap3A_197 = vector.shape_cast %max3A_192 : vector<2000x16xf32> to vector<1x2000x16xf32>
    tpu.vector_store %arg11[%swap3A, %swap3A_193, %swap3A_194], %swap3A_197 {strides = array<i32>} : memref<1x2000x16xf32, #tpu.memory_space<vmem>>, vector<1x2000x16xf32>,
    return
  }
  func.func @transform_0(%arg0: i32) -> (i32, i32, i32) {
    %c0_i32 = arith.constant 0 : i32
    %c0_i32_0 = arith.constant 0 : i32
    %c0_i32_1 = arith.constant 0 : i32
    return %c0_i32, %arg0, %c0_i32_0 : i32, i32, i32
  }
  func.func @transform_1(%arg0: i32) -> (i32, i32, i32) {
    %c1_i32 = arith.constant 1 : i32
    %c0_i32 = arith.constant 0 : i32
    %c0_i32_0 = arith.constant 0 : i32
    return %c1_i32, %arg0, %c0_i32 : i32, i32, i32
  }
  func.func @transform_2(%arg0: i32) -> (i32, i32, i32) {
    %c0_i32 = arith.constant 0 : i32
    %c0_i32_0 = arith.constant 0 : i32
    %c0_i32_1 = arith.constant 0 : i32
    return %c0_i32, %arg0, %c0_i32_0 : i32, i32, i32
  }
  func.func @transform_3(%arg0: i32) -> (i32, i32) {
    %c0_i32 = arith.constant 0 : i32
    %c0_i32_0 = arith.constant 0 : i32
    return %arg0, %c0_i32 : i32, i32
  }
  func.func @transform_4(%arg0: i32) -> (i32, i32) {
    %c0_i32 = arith.constant 0 : i32
    %c0_i32_0 = arith.constant 0 : i32
    %c0_i32_1 = arith.constant 0 : i32
    return %c0_i32, %c0_i32_0 : i32, i32
  }
  func.func @transform_5(%arg0: i32) -> (i32, i32) {
    %c0_i32 = arith.constant 0 : i32
    %c0_i32_0 = arith.constant 0 : i32
    %c0_i32_1 = arith.constant 0 : i32
    return %c0_i32, %c0_i32_0 : i32, i32
  }
  func.func @transform_6(%arg0: i32) -> (i32, i32) {
    %c0_i32 = arith.constant 0 : i32
    %c0_i32_0 = arith.constant 0 : i32
    %c0_i32_1 = arith.constant 0 : i32
    return %c0_i32, %c0_i32_0 : i32, i32
  }
  func.func @transform_7(%arg0: i32) -> (i32, i32) {
    %c0_i32 = arith.constant 0 : i32
    %c0_i32_0 = arith.constant 0 : i32
    %c0_i32_1 = arith.constant 0 : i32
    return %c0_i32, %c0_i32_0 : i32, i32
  }
  func.func @transform_8(%arg0: i32) -> (i32, i32) {
    %c0_i32 = arith.constant 0 : i32
    %c0_i32_0 = arith.constant 0 : i32
    %c0_i32_1 = arith.constant 0 : i32
    return %c0_i32, %c0_i32_0 : i32, i32
  }
  func.func @transform_9(%arg0: i32) -> (i32, i32) {
    %c0_i32 = arith.constant 0 : i32
    %c0_i32_0 = arith.constant 0 : i32
    %c0_i32_1 = arith.constant 0 : i32
    return %c0_i32, %c0_i32_0 : i32, i32
  }
  func.func @transform_10(%arg0: i32) -> (i32, i32, i32) {
    %c0_i32 = arith.constant 0 : i32
    %c0_i32_0 = arith.constant 0 : i32
    %c0_i32_1 = arith.constant 0 : i32
    return %c0_i32, %arg0, %c0_i32_0 : i32, i32, i32
  }
}

</mosaic_0001>

<sc_bundles>
// kernel: kernel.6.cloned.1.call-start
scs
__scs_entry_jumppad:
0x0: {  	(pc) =	sbr.rel $0x88, $3  }
0x1: {  	(tag) =	ssettag $0x0;
	lr =	simm.s32 $0x1  }
0x2: {  	[smem:$0x3F9E] =	sst lr;
	_ =	strace $0xD0000000  }
0x3: {  	_ = 	snop  }
0x4: {  	_ = 	snop  }
0x5: {  	_ = 	snop  }
0x6: {  	_ = 	snop  }
0x7: {  	_ = 	snop  }
__scs_overlays_trampoline_lowered:
0x8: {  	[smem:$0x3FAD] =	sst s0  }
0x9: {  	[smem:$0x3FAE] =	sst s1  }
0xa: {  	[smem:$0x3FAF] =	sst s2  }
0xb: {  	[smem:$0x3FB0] =	sst s3  }
0xc: {  	[smem:$0x3FB1] =	sst s4  }
0xd: {  	[smem:$0x3FB2] =	sst s5  }
0xe: {  	[smem:$0x3FB3] =	sst s6  }
0xf: {  	[smem:$0x3FB4] =	sst s7  }
0x10: {  	[smem:$0x3FB5] =	sst s8  }
0x11: {  	[smem:$0x3FB6] =	sst s9;
	s0 =	simm.s32 @!p0 $0x0  }
0x12: {  	s1 =	sld [smem:$0x3F9C];
	s0 =	simm.s32 @p0 $0x1  }
0x13: {  	[smem:$0x3FB7] =	sst s0;
	s0 =	simm.s32 @!p1 $0x0  }
0x14: {  	s2 =	sld [smem:$0x3F9B];
	s0 =	simm.s32 @p1 $0x1  }
0x15: {  	[smem:$0x3FB8] =	sst s0;
	s0 =	simm.s32 @!p2 $0x0  }
0x16: {  	s3 =	sld [smem:$0x3FDB];
	s0 =	simm.s32 @p2 $0x1  }
0x17: {  	s4 =	simm.s32 $0x1BF5;
	[smem:$0x3FBA] =	sst s0  }
0x18: {  	s0 =	sld [smem:$0x3F9D];
	_ =	swait.ge [sflag:s4], $0x0  }
0x19: {  	s7 =	sld [smem:$0x3F9E]  }
0x1a: {  	s8 =	sadd.s32 $0xFFFFE003, lr  }
0x1b: {  	s9 =	sadd.s32 $0xFFFFFEF7, lr;
	s5 =	simm.s32 $0xFFFFFFFF;
	p2 =	slt.u32 s8, $0xFFFFF086  }
0x1c: {  	p1 =	slt.u32 s9, $0xF7A;
	s5 =	simm.s32 @!p2 $0x0  }
0x1d: {  	s5 =	simm.s32 @p1 $0x1;
	p0 =	seq.s32 s7, s2  }
0x1e: {  	s7 =	smul.u32 @!p0 $0xF7A, s2;
	p2 =	seq.s32 @!p0 s5, $0x0  }
0x1f: {  	s9 =	smul.u32 $0xF7A, s1;
	s8 =	simm.s32 @!p0 $0x1BF5;
	p2 =	por !p2, p0  }
0x20: {  	[sflag:s8] =	ssyncset.s32 @!p0 $0xFFFFF086;
	s6 =	sadd.s32 @!p0 s3, s7;
	s7 =	simm.s32 @!p0 $0x108  }
0x21: {  	s3 =	sadd.s32 s3, s9;
	s6 =	sadd.s32 @!p0 $0x88, s6;
	s7 =	simm.s32 @p2 $0x1082  }
0x22: {  	[simem:s7], [sflag:s8] =	dma.local @!p0 [hbm:s6], $0xF7A  }
0x23: {  	s9 =	sor.u32 $0xD0000000, s2;
	s6 =	simm.s32 $0x108;
	_ =	swait.ge @!p0 [sflag:s8], $0x0  }
0x24: {  	s3 =	sadd.s32 $0x88, s3;
	s6 =	simm.s32 @!p1 $0x1082;
	[sflag:s4] =	ssyncset.s32 $0xFFFFF086  }
0x25: {  	[simem:s6], [sflag:s4] =	dma.local [hbm:s3], $0xF7A  }
0x26: {  	[smem:$0x3F9E] =	sst s1;
	(tag) =	ssettag s2;
	_ =	strace s9  }
0x27: {  	s1 =	sld [smem:$0x3FAE]  }
0x28: {  	s2 =	sld [smem:$0x3FAF]  }
0x29: {  	s4 =	sld [smem:$0x3FB1]  }
0x2a: {  	p0 =	seq.s32 s5, $0x0;
	s5 =	sld [smem:$0x3FB2]  }
0x2b: {  	s6 =	sld [smem:$0x3FB3]  }
0x2c: {  	s7 =	sld [smem:$0x3FB4]  }
0x2d: {  	s3 =	simm.s32 $0x108;
	s8 =	sld [smem:$0x3FB5]  }
0x2e: {  	s3 =	simm.s32 @!p0 $0x1082;
	s9 =	sld [smem:$0x3FB6]  }
0x2f: {  	lr =	sadd.s32 s0, s3;
	s0 =	sld [smem:$0x3FAD]  }
0x30: {  	s3 =	sld [smem:$0x3FB0]  }
0x31: {  	[smem:$0x3FB9] =	sst s10  }
0x32: {  	s10 =	sld [smem:$0x3FB7];
	_ =	sdelay $0x3  }
0x33: {  	p0 =	seq.s32 s10, $0x1;
	s10 =	sld [smem:$0x3FB9];
	_ =	sdelay $0x3  }
0x34: {  	[smem:$0x3FB9] =	sst s10  }
0x35: {  	s10 =	sld [smem:$0x3FB8];
	_ =	sdelay $0x3  }
0x36: {  	p1 =	seq.s32 s10, $0x1;
	s10 =	sld [smem:$0x3FB9];
	_ =	sdelay $0x3  }
0x37: {  	[smem:$0x3FB9] =	sst s10  }
0x38: {  	s10 =	sld [smem:$0x3FBA]  }
0x39: {  	_ = 	snop;
	(pc) =	sbr.ind lr, $3  }
0x3a: {  	_ = 	snop  }
0x3b: {  	_ = 	snop  }
0x3c: {  	p2 =	seq.s32 s10, $0x1;
	s10 =	sld [smem:$0x3FB9]  }
0x3d: {  	_ =	shalt  }
0x3e: {  	_ =	shalt  }
0x3f: {  	_ =	shalt  }
0x40: {  	_ =	shalt  }
0x41: {  	_ =	shalt  }
0x42: {  	_ =	shalt  }
0x43: {  	_ =	shalt  }
0x44: {  	_ =	shalt  }
0x45: {  	_ =	shalt  }
0x46: {  	_ =	shalt  }
0x47: {  	_ =	shalt  }
0x48: {  	_ =	shalt  }
0x49: {  	_ =	shalt  }
0x4a: {  	_ =	shalt  }
0x4b: {  	_ =	shalt  }
0x4c: {  	_ =	shalt  }
0x4d: {  	_ =	shalt  }
0x4e: {  	_ =	shalt  }
0x4f: {  	_ =	shalt  }
0x50: {  	_ =	shalt  }
0x51: {  	_ =	shalt  }
0x52: {  	_ =	shalt  }
0x53: {  	_ =	shalt  }
0x54: {  	_ =	shalt  }
0x55: {  	_ =	shalt  }
0x56: {  	_ =	shalt  }
0x57: {  	_ =	shalt  }
0x58: {  	_ =	shalt  }
0x59: {  	_ =	shalt  }
0x5a: {  	_ =	shalt  }
0x5b: {  	_ =	shalt  }
0x5c: {  	_ =	shalt  }
0x5d: {  	_ =	shalt  }
0x5e: {  	_ =	shalt  }
0x5f: {  	_ =	shalt  }
0x60: {  	_ =	shalt  }
0x61: {  	_ =	shalt  }
0x62: {  	_ =	shalt  }
0x63: {  	_ =	shalt  }
0x64: {  	_ =	shalt  }
0x65: {  	_ =	shalt  }
0x66: {  	_ =	shalt  }
0x67: {  	_ =	shalt  }
0x68: {  	_ =	shalt  }
0x69: {  	_ =	shalt  }
0x6a: {  	_ =	shalt  }
0x6b: {  	_ =	shalt  }
0x6c: {  	_ =	shalt  }
0x6d: {  	_ =	shalt  }
0x6e: {  	_ =	shalt  }
0x6f: {  	_ =	shalt  }
0x70: {  	_ =	shalt  }
0x71: {  	_ =	shalt  }
0x72: {  	_ =	shalt  }
0x73: {  	_ =	shalt  }
0x74: {  	_ =	shalt  }
0x75: {  	_ =	shalt  }
0x76: {  	_ =	shalt  }
0x77: {  	_ =	shalt  }
0x78: {  	_ =	shalt  }
0x79: {  	_ =	shalt  }
0x7a: {  	_ =	shalt  }
0x7b: {  	_ =	shalt  }
0x7c: {  	_ =	shalt  }
0x7d: {  	_ =	shalt  }
0x7e: {  	_ =	shalt  }
0x7f: {  	_ =	shalt  }
0x80: {  	_ =	shalt  }
0x81: {  	_ =	shalt  }
0x82: {  	_ =	shalt  }
0x83: {  	_ =	shalt  }
0x84: {  	_ =	shalt  }
0x85: {  	_ =	shalt  }
0x86: {  	_ =	shalt  }
0x87: {  	_ =	shalt  }
.Lfunc_end0:
.L_simem_size_0:
called_computation_lowered:
.L_overlay_start_0:
0x88: {  	s2 =	sld [smem:$0x3FD9]  }
0x89: {  	s3 =	sld [smem:$0x3FFE];
	_ =	sdelay $0x1  }
0x8a: {  	s1 =	srdreg.scid  }
0x8b: {  	s0 =	sand.u32 $0x1, s1  }
0x8c: {  	s16 =	sshll.u32 s0, $0xA;
	s2 =	sadd.s32 s3, s2  }
0x8d: {  	s2 =	sadd.s32 s2, s16  }
0x8e: {  	[smem:$0x3FC5] =	sst s2  }
0x8f: {  	_ = 	snop  }
0x90: {  	(tm) =	ssettm $0x1  }
0x91: {  	s17 =	sld [smem:$0x3FFB];
	_ =	sdelay $0x3  }
0x92: {  	_ =	strace s17  }
0x93: {  	s2 =	sld [smem:$0x3FFC];
	_ =	sdelay $0x3  }
0x94: {  	_ =	strace s2  }
0x95: {  	s2 =	sld [smem:$0x3FFD];
	_ =	sdelay $0x3  }
0x96: {  	_ =	strace s2  }
0x97: {  	_ =	strace $0x8FFFFFFF  }
0x98: {  	s18 =	sld [smem:$0x3FDB];
	_ =	sdelay $0x1  }
0x99: {  	s19 =	simm.s32 $_scs_section_size  }
0x9a: {  	s4 =	simm.s32 $_size__tile_overlayer_lowered;
	s5 =	simm.s32 $_tile_overlayer_lowered  }
0x9b: {  	s22 =	simm.s32 $0x1BFF;
	s21 =	sshll.u32 s5, $0x1;
	s2 =	sadd.s32 s19, s18  }
0x9c: {  	s6 =	simm.s32 $0x0;
	s20 =	sshll.u32 s4, $0x1;
	s4 =	sadd.s32 s21, s2  }
0x9d: {  	[timem:s6], [sflag:s22] =	dma.local [hbm:s4], s20  }
0x9e: {  	_ =	swait.ge [sflag:s22], s20  }
0x9f: {  	s3 =	ssub.s32 $0x0, s20;
	[sflag:s22] =	ssyncset.done $0x0  }
0xa0: {  	[sflag:s22] =	ssyncadd.s32 s3;
	_ =	sdelay $0x1  }
0xa1: {  	s23 =	simm.s32 $0x1B8B  }
0xa2: {  	_ =	swait.ge [sflag:s23], $0x1  }
0xa3: {  	[sflag:s23] =	ssyncset.done $0x0  }
0xa4: {  	s25 =	simm.s32 $0x1B8E;
	s24 =	sld [smem:$0x3FFE];
	[sflag:s23] =	ssyncadd.s32 $0xFFFFFFFF  }
0xa5: {  	s26 =	simm.s32 $execute0_lowered;
	[smem:$0x3FD2] =	sst s25  }
0xa6: {  	s4 =	sshll.u32 s26, $0x1;
	_ =	strace $0x80000046;
	[dreg:$0x1] =	wrdreg $0xFFFFFFFF  }
0xa7: {  	s28 =	simm.s32 $_size_execute0_lowered;
	s2 =	sadd.s32 s2, s4;
	[dreg:$0x0] =	wrdreg $0x0  }
0xa8: {  	s4 =	sshll.u32 s28, $0x1;
	[dreg:$0x2] =	wrdreg s2  }
0xa9: {  	[dreg:$0x3] =	wrdreg s4  }
0xaa: {  	[dreg:$0x4] =	wrdreg $0xC0  }
0xab: {  	_ =	task [dreg:s6], $0x5FFFF  }
0xac: {  	[dreg:$0x1] =	wrdreg $0xFFFFFFFF  }
0xad: {  	[dreg:$0x0] =	wrdreg $0x60  }
0xae: {  	[dreg:$0x2] =	wrdreg s24  }
0xaf: {  	[dreg:$0x3] =	wrdreg $0x9  }
0xb0: {  	_ =	task.clear_ibuf [dreg:s6], $0x4FFFF;
	_ =	strace $0x90000046  }
0xb1: {  	s29 =	simm.s32 $0x9;
	_ =	strace $0x80000048  }
0xb2: {  	_ =	swait.ge [sflag:s29], $0x1  }
0xb3: {  	[sflag:s29] =	ssyncadd.s32 $0xFFFFFFFF  }
0xb4: {  	_ =	strace $0x90000048  }
0xb5: {  	_ =	sfence  }
0xb6: {  	s30 =	sld [smem:$0x0];
	_ =	sdelay $0x2  }
0xb7: {  	s31 =	sshll.u32 s1, $0xD;
	s1 =	sshrl.u32 s1, $0x2  }
0xb8: {  	s3 =	sand.u32 $0x4000, s31;
	s1 =	sadd.s32 s1, s30  }
0xb9: {  	s0 =	sor.u32 s3, s0;
	s1 =	sshll.u32 s1, $0x11  }
0xba: {  	s0 =	sor.u32 s1, s0  }
0xbb: {  	s0 =	sadd.s32 $0x8F2B, s0  }
0xbc: {  	[sflag:s0] =	ssyncadd.remote.s32 $0x1  }
0xbd: {  	_ =	sfence.sel $0xFFFF  }
0xbe: {  	[dreg:$0x0] =	wrdreg $0xFFFFFFFF;
	(pc) =	sbr.abs _section_cstart, $3  }
0xbf: {  	[dreg:$0x1] =	wrdreg $0xFFFFFFFF  }
0xc0: {  	_ =	task.clear_ibuf [dreg:s6], $0x2FFFF;
	_ =	strace $0x9FFFFFFF  }
0xc1: {  	(tm) =	ssettm $0x7FFFFFFF  }
tec
execute0_lowered:
.L_overlay_start_1:
0x0: {  	(tag) =	ssettag $0x1  }
0x1: {  	s0 =	stileid.u32  }
0x2: {  	s1 =	srdreg.scid;
	s2 =	sshll.u32 s0, $0x1  }
0x3: {  	s6 =	sand.u32 $0x1, s1;
	s8 =	sshrl.u32 s0, $0x3;
	s4 =	sand.u32 $0xE, s2  }
0x4: {  	s5 =	rddreg [dreg:$0x0];
	s8 =	smul.u32 $0x1388, s8;
	s3 =	sor.u32 s6, s4  }
0x5: {  	s1 =	rddreg [dreg:$0x1];
	s2 =	simm.s32 $0x0;
	s7 =	smul.u32 $0x2710, s3  }
0x6: {  	s10 =	ssub.s32 $0x2, s6;
	[smem:$0x7FF] =	sst s2;
	s25 =	sshrl.u32 s4, $0x3  }
0x7: {  	s29 =	sshrl.u32 s10, $0x1;
	s6 =	simm.s32 $0x1388;
	s7 =	sadd.s32 s8, s7  }
0x8: {  	_ =	strace $0x80000047;
	s9 =	sshll.u32 s3, $0x1;
	s7 =	sshrl.u32 s7, $0x3  }
0x9: {  	s3 =	sadd.s32 $0xE00, s5;
	s9 =	sand.u32 $0xE, s9;
	s7 =	sadd.s32 s7, s5  }
0xa: {  	s9 =	sadd.s32 s9, s5;
	s5 =	simm.s32 $0x2;
	s4 =	sadd.s32 $0x5E00, s7  }
0xb: {  	[tilespmem:s2], [sflag:$0x2] =	stream.linear.gather [hbm4b:s4+s2], $0x1388, $0x38;
	[tilespmem:$0x14C08] =	vst v63  }
0xc: {  	s26 =	smul.u32 $0x2710, s25;
	s10 =	ssub.s32 s10, s29;
	_ =	swait.ge [sflag:s5], $0x1388  }
0xd: {  	s31 =	smax.u32 s10, $0x1;
	s10 =	simm.s32 $0x80;
	[sflag:s5] =	ssyncset.done $0x0  }
0xe: {  	s28 =	sadd.s32 s8, s26;
	s7 =	simm.s32 $0x1;
	[sflag:s5] =	ssyncadd.s32 $0xFFFFEC78  }
0xf: {  	[tilespmem:s6], [sflag:$0x1] =	stream.indirect.gather [hbm4b:s3+s6], $0x10, s2, s6, $0xb8;
	[tilespmem:$0x14C08] =	vst v63  }
0x10: {  	p0 =	sne.s32 s31, $0x1;
	s11 =	sshll.u32 s28, $0x4;
	_ =	swait.ge [sflag:s7], $0x13880  }
.Ltmp0:
0x11: {  	s30 =	sadd.s32 s11, s9;
	[sflag:s7] =	ssyncset.done $0x0;
	(pc) =	sbr.rel @!p0 .LBB2_2-.Ltmp0, $4  }
0x12: {  	s9 =	simm.s32 $0x10;
	s8 =	sadd.s32 $0xAE00, s30;
	[sflag:s7] =	ssyncadd.s32 $0xFFFEC780  }
0x13: {  	[hbm4b:s8+s9] =	stream.strided.scatter [tilespmem:s6], [sflag:$0x2], $0x13880, s10, s9, $0x38;
	[tilespmem:$0x14C08] =	vst v63  }
0x14: {  	_ =	swait.ge [sflag:s5], $0x13880  }
0x15: {  	s11 =	sadd.s32 $0xFFFFFFFF, s31;
	[sflag:s5] =	ssyncset.done $0x0  }
.LBB2_1:
0x16: {  	p0 =	sne.s32 s11, $0x1;
	s11 =	sadd.s32 $0xFFFFFFFF, s11;
	[sflag:s5] =	ssyncadd.s32 $0xFFFEC780  }
0x17: {  	[tilespmem:s2], [sflag:$0x2] =	stream.linear.gather [hbm4b:s4+s2], $0x1388, $0x38;
	[tilespmem:$0x14C08] =	vst v63  }
0x18: {  	_ =	swait.ge [sflag:s5], $0x1388  }
0x19: {  	[sflag:s5] =	ssyncset.done $0x0  }
0x1a: {  	[sflag:s5] =	ssyncadd.s32 $0xFFFFEC78  }
0x1b: {  	[tilespmem:s6], [sflag:$0x1] =	stream.indirect.gather [hbm4b:s3+s6], $0x10, s2, s6, $0xb8;
	[tilespmem:$0x14C08] =	vst v63  }
0x1c: {  	_ =	swait.ge [sflag:s7], $0x13880  }
.Ltmp1:
0x1d: {  	[sflag:s7] =	ssyncset.done $0x0;
	(pc) =	sbr.rel @p0 .LBB2_1-.Ltmp1, $4  }
0x1e: {  	[sflag:s7] =	ssyncadd.s32 $0xFFFEC780  }
0x1f: {  	[hbm4b:s8+s9] =	stream.strided.scatter [tilespmem:s6], [sflag:$0x2], $0x13880, s10, s9, $0x38;
	[tilespmem:$0x14C08] =	vst v63  }
0x20: {  	_ =	swait.ge [sflag:s5], $0x13880  }
0x21: {  	[sflag:s5] =	ssyncset.done $0x0  }
.LBB2_2:
0x22: {  	[sflag:s5] =	ssyncadd.s32 $0xFFFEC780  }
0x23: {  	_ =	sfence.sel $0x180000  }
0x24: {  	[bflag:$0x0] =	sbarrier.arrive $0xFFFF  }
0x25: {  	p0 =	sne.s32 s0, $0x0;
	_ =	strace $0x90000047  }
0x26: {  	s0 =	sadd.s32 @!p0 $0x100000, s1;
	[bflag:$0x2] =	sbarrier.arrive $0xFFFF  }
0x27: {  	[sflag:s0] =	ssyncadd.tile.s32 @!p0 $0x1;
	_ =	shalt  }
.Lfunc_end2:
_tile_overlayer_lowered:
.L_overlay_start_2:
0x28: {  	(tag) =	ssettag $0x2  }
0x29: {  	s0 =	rddreg [dreg:$0x0];
	s2 =	stileid.u32  }
0x2a: {  	s1 =	rddreg [dreg:$0x1];
	p0 =	sne.s32 s2, $0x0  }
0x2b: {  	s3 =	rddreg [dreg:$0x2];
	[bflag:$0x3] =	sbarrier.arrive $0xFFFF;
	s2 =	simm.s32 @!p0 $0x1C02  }
0x2c: {  	[timem:s3], [sflag:s2] =	dma.local @!p0 [hbm:s0], s1  }
0x2d: {  	s0 =	simm.s32 @!p0 $0x2  }
0x2e: {  	_ =	swait.ge @!p0 [sflag:s0], s1  }
0x2f: {  	s1 =	ssub.s32 @!p0 $0x0, s1;
	[sflag:s0] =	ssyncset.done @!p0 $0x0  }
0x30: {  	[sflag:s0] =	ssyncadd.s32 @!p0 s1  }
0x31: {  	[bflag:$0x3] =	sbarrier.arrive $0xFFFF  }
0x32: {  	_ =	shalt  }

// kernel: kernel.9.cloned.1.call-start
scs
__scs_entry_jumppad:
0x0: {  	(pc) =	sbr.rel $0x88, $3  }
0x1: {  	(tag) =	ssettag $0x0;
	lr =	simm.s32 $0x1  }
0x2: {  	[smem:$0x3F9E] =	sst lr;
	_ =	strace $0xD0000000  }
0x3: {  	_ = 	snop  }
0x4: {  	_ = 	snop  }
0x5: {  	_ = 	snop  }
0x6: {  	_ = 	snop  }
0x7: {  	_ = 	snop  }
__scs_overlays_trampoline_lowered:
0x8: {  	[smem:$0x3FAD] =	sst s0  }
0x9: {  	[smem:$0x3FAE] =	sst s1  }
0xa: {  	[smem:$0x3FAF] =	sst s2  }
0xb: {  	[smem:$0x3FB0] =	sst s3  }
0xc: {  	[smem:$0x3FB1] =	sst s4  }
0xd: {  	[smem:$0x3FB2] =	sst s5  }
0xe: {  	[smem:$0x3FB3] =	sst s6  }
0xf: {  	[smem:$0x3FB4] =	sst s7  }
0x10: {  	[smem:$0x3FB5] =	sst s8  }
0x11: {  	[smem:$0x3FB6] =	sst s9;
	s0 =	simm.s32 @!p0 $0x0  }
0x12: {  	s1 =	sld [smem:$0x3F9C];
	s0 =	simm.s32 @p0 $0x1  }
0x13: {  	[smem:$0x3FB7] =	sst s0;
	s0 =	simm.s32 @!p1 $0x0  }
0x14: {  	s2 =	sld [smem:$0x3F9B];
	s0 =	simm.s32 @p1 $0x1  }
0x15: {  	[smem:$0x3FB8] =	sst s0;
	s0 =	simm.s32 @!p2 $0x0  }
0x16: {  	s3 =	sld [smem:$0x3FDB];
	s0 =	simm.s32 @p2 $0x1  }
0x17: {  	s4 =	simm.s32 $0x1BF5;
	[smem:$0x3FBA] =	sst s0  }
0x18: {  	s0 =	sld [smem:$0x3F9D];
	_ =	swait.ge [sflag:s4], $0x0  }
0x19: {  	s7 =	sld [smem:$0x3F9E]  }
0x1a: {  	s8 =	sadd.s32 $0xFFFFE003, lr  }
0x1b: {  	s9 =	sadd.s32 $0xFFFFFEF7, lr;
	s5 =	simm.s32 $0xFFFFFFFF;
	p2 =	slt.u32 s8, $0xFFFFF086  }
0x1c: {  	p1 =	slt.u32 s9, $0xF7A;
	s5 =	simm.s32 @!p2 $0x0  }
0x1d: {  	s5 =	simm.s32 @p1 $0x1;
	p0 =	seq.s32 s7, s2  }
0x1e: {  	s7 =	smul.u32 @!p0 $0xF7A, s2;
	p2 =	seq.s32 @!p0 s5, $0x0  }
0x1f: {  	s9 =	smul.u32 $0xF7A, s1;
	s8 =	simm.s32 @!p0 $0x1BF5;
	p2 =	por !p2, p0  }
0x20: {  	[sflag:s8] =	ssyncset.s32 @!p0 $0xFFFFF086;
	s6 =	sadd.s32 @!p0 s3, s7;
	s7 =	simm.s32 @!p0 $0x108  }
0x21: {  	s3 =	sadd.s32 s3, s9;
	s6 =	sadd.s32 @!p0 $0x88, s6;
	s7 =	simm.s32 @p2 $0x1082  }
0x22: {  	[simem:s7], [sflag:s8] =	dma.local @!p0 [hbm:s6], $0xF7A  }
0x23: {  	s9 =	sor.u32 $0xD0000000, s2;
	s6 =	simm.s32 $0x108;
	_ =	swait.ge @!p0 [sflag:s8], $0x0  }
0x24: {  	s3 =	sadd.s32 $0x88, s3;
	s6 =	simm.s32 @!p1 $0x1082;
	[sflag:s4] =	ssyncset.s32 $0xFFFFF086  }
0x25: {  	[simem:s6], [sflag:s4] =	dma.local [hbm:s3], $0xF7A  }
0x26: {  	[smem:$0x3F9E] =	sst s1;
	(tag) =	ssettag s2;
	_ =	strace s9  }
0x27: {  	s1 =	sld [smem:$0x3FAE]  }
0x28: {  	s2 =	sld [smem:$0x3FAF]  }
0x29: {  	s4 =	sld [smem:$0x3FB1]  }
0x2a: {  	p0 =	seq.s32 s5, $0x0;
	s5 =	sld [smem:$0x3FB2]  }
0x2b: {  	s6 =	sld [smem:$0x3FB3]  }
0x2c: {  	s7 =	sld [smem:$0x3FB4]  }
0x2d: {  	s3 =	simm.s32 $0x108;
	s8 =	sld [smem:$0x3FB5]  }
0x2e: {  	s3 =	simm.s32 @!p0 $0x1082;
	s9 =	sld [smem:$0x3FB6]  }
0x2f: {  	lr =	sadd.s32 s0, s3;
	s0 =	sld [smem:$0x3FAD]  }
0x30: {  	s3 =	sld [smem:$0x3FB0]  }
0x31: {  	[smem:$0x3FB9] =	sst s10  }
0x32: {  	s10 =	sld [smem:$0x3FB7];
	_ =	sdelay $0x3  }
0x33: {  	p0 =	seq.s32 s10, $0x1;
	s10 =	sld [smem:$0x3FB9];
	_ =	sdelay $0x3  }
0x34: {  	[smem:$0x3FB9] =	sst s10  }
0x35: {  	s10 =	sld [smem:$0x3FB8];
	_ =	sdelay $0x3  }
0x36: {  	p1 =	seq.s32 s10, $0x1;
	s10 =	sld [smem:$0x3FB9];
	_ =	sdelay $0x3  }
0x37: {  	[smem:$0x3FB9] =	sst s10  }
0x38: {  	s10 =	sld [smem:$0x3FBA]  }
0x39: {  	_ = 	snop;
	(pc) =	sbr.ind lr, $3  }
0x3a: {  	_ = 	snop  }
0x3b: {  	_ = 	snop  }
0x3c: {  	p2 =	seq.s32 s10, $0x1;
	s10 =	sld [smem:$0x3FB9]  }
0x3d: {  	_ =	shalt  }
0x3e: {  	_ =	shalt  }
0x3f: {  	_ =	shalt  }
0x40: {  	_ =	shalt  }
0x41: {  	_ =	shalt  }
0x42: {  	_ =	shalt  }
0x43: {  	_ =	shalt  }
0x44: {  	_ =	shalt  }
0x45: {  	_ =	shalt  }
0x46: {  	_ =	shalt  }
0x47: {  	_ =	shalt  }
0x48: {  	_ =	shalt  }
0x49: {  	_ =	shalt  }
0x4a: {  	_ =	shalt  }
0x4b: {  	_ =	shalt  }
0x4c: {  	_ =	shalt  }
0x4d: {  	_ =	shalt  }
0x4e: {  	_ =	shalt  }
0x4f: {  	_ =	shalt  }
0x50: {  	_ =	shalt  }
0x51: {  	_ =	shalt  }
0x52: {  	_ =	shalt  }
0x53: {  	_ =	shalt  }
0x54: {  	_ =	shalt  }
0x55: {  	_ =	shalt  }
0x56: {  	_ =	shalt  }
0x57: {  	_ =	shalt  }
0x58: {  	_ =	shalt  }
0x59: {  	_ =	shalt  }
0x5a: {  	_ =	shalt  }
0x5b: {  	_ =	shalt  }
0x5c: {  	_ =	shalt  }
0x5d: {  	_ =	shalt  }
0x5e: {  	_ =	shalt  }
0x5f: {  	_ =	shalt  }
0x60: {  	_ =	shalt  }
0x61: {  	_ =	shalt  }
0x62: {  	_ =	shalt  }
0x63: {  	_ =	shalt  }
0x64: {  	_ =	shalt  }
0x65: {  	_ =	shalt  }
0x66: {  	_ =	shalt  }
0x67: {  	_ =	shalt  }
0x68: {  	_ =	shalt  }
0x69: {  	_ =	shalt  }
0x6a: {  	_ =	shalt  }
0x6b: {  	_ =	shalt  }
0x6c: {  	_ =	shalt  }
0x6d: {  	_ =	shalt  }
0x6e: {  	_ =	shalt  }
0x6f: {  	_ =	shalt  }
0x70: {  	_ =	shalt  }
0x71: {  	_ =	shalt  }
0x72: {  	_ =	shalt  }
0x73: {  	_ =	shalt  }
0x74: {  	_ =	shalt  }
0x75: {  	_ =	shalt  }
0x76: {  	_ =	shalt  }
0x77: {  	_ =	shalt  }
0x78: {  	_ =	shalt  }
0x79: {  	_ =	shalt  }
0x7a: {  	_ =	shalt  }
0x7b: {  	_ =	shalt  }
0x7c: {  	_ =	shalt  }
0x7d: {  	_ =	shalt  }
0x7e: {  	_ =	shalt  }
0x7f: {  	_ =	shalt  }
0x80: {  	_ =	shalt  }
0x81: {  	_ =	shalt  }
0x82: {  	_ =	shalt  }
0x83: {  	_ =	shalt  }
0x84: {  	_ =	shalt  }
0x85: {  	_ =	shalt  }
0x86: {  	_ =	shalt  }
0x87: {  	_ =	shalt  }
.Lfunc_end0:
.L_simem_size_0:
called_computation.1_lowered:
.L_overlay_start_0:
0x88: {  	s2 =	sld [smem:$0x3FD9]  }
0x89: {  	s3 =	sld [smem:$0x3FFE];
	_ =	sdelay $0x1  }
0x8a: {  	s1 =	srdreg.scid  }
0x8b: {  	s0 =	sand.u32 $0x1, s1  }
0x8c: {  	s17 =	sshll.u32 s0, $0xA;
	s2 =	sadd.s32 s3, s2  }
0x8d: {  	s2 =	sadd.s32 s2, s17  }
0x8e: {  	[smem:$0x3FC5] =	sst s2  }
0x8f: {  	_ = 	snop  }
0x90: {  	s18 =	sld [smem:$0x3FD0];
	(tm) =	ssettm $0x1  }
0x91: {  	s19 =	sld [smem:$0x3FFB];
	_ =	sdelay $0x3  }
0x92: {  	_ =	strace s19  }
0x93: {  	s2 =	sld [smem:$0x3FFC];
	_ =	sdelay $0x3  }
0x94: {  	_ =	strace s2  }
0x95: {  	s2 =	sld [smem:$0x3FFD];
	_ =	sdelay $0x3  }
0x96: {  	_ =	strace s2  }
0x97: {  	_ =	strace $0x8FFFFFFF  }
0x98: {  	s20 =	sld [smem:$0x3FDB];
	_ =	sdelay $0x1  }
0x99: {  	s4 =	simm.s32 $_scs_section_size  }
0x9a: {  	s5 =	simm.s32 $_size__tile_overlayer_lowered;
	s6 =	simm.s32 $_tile_overlayer_lowered  }
0x9b: {  	s7 =	simm.s32 $0x1BFF;
	s21 =	sshll.u32 s6, $0x1;
	s4 =	sadd.s32 s4, s20  }
0x9c: {  	s22 =	simm.s32 $0x0;
	s5 =	sshll.u32 s5, $0x1;
	s6 =	sadd.s32 s21, s4  }
0x9d: {  	[timem:s22], [sflag:s7] =	dma.local [hbm:s6], s5  }
0x9e: {  	_ =	swait.ge [sflag:s7], s5  }
0x9f: {  	s5 =	ssub.s32 $0x0, s5;
	[sflag:s7] =	ssyncset.done $0x0  }
0xa0: {  	[sflag:s7] =	ssyncadd.s32 s5;
	_ =	sdelay $0x1  }
0xa1: {  	s23 =	simm.s32 $0x1B8B  }
0xa2: {  	_ =	swait.ge [sflag:s23], $0x1  }
0xa3: {  	[sflag:s23] =	ssyncset.done $0x0  }
0xa4: {  	[sflag:s23] =	ssyncadd.s32 $0xFFFFFFFF  }
0xa5: {  	s5 =	sld [smem:$0x0]  }
0xa6: {  	s6 =	sand.u32 $0xFFFFFFFE, s1  }
0xa7: {  	p0 =	sne.s32 s1, s6  }
0xa8: {  	s6 =	sshll.u32 @p0 s6, $0xE  }
0xa9: {  	s6 =	sadd.s32 @p0 $0x11B8D, s6;
	s7 =	sshll.u32 @p0 s5, $0x11  }
0xaa: {  	s6 =	sor.u32 @p0 s7, s6  }
0xab: {  	[sflag:s6] =	ssyncadd.remote.s32 @p0 $0x1;
	_ =	sdelay $0x1  }
0xac: {  	s6 =	simm.s32 @p0 $0x1B8D  }
0xad: {  	_ =	swait.eq @p0 [sflag:s6], $0x1  }
0xae: {  	[sflag:s6] =	ssyncadd.s32 @p0 $0xFFFFFFFF  }
0xaf: {  	s7 =	sshll.u32 @!p0 s1, $0xE  }
0xb0: {  	s7 =	sor.u32 @!p0 $0x4000, s7;
	s6 =	simm.s32 @!p0 $0x1B8D  }
0xb1: {  	s5 =	sshll.u32 @!p0 s5, $0x11;
	s7 =	sadd.s32 @!p0 $0x11B8D, s7;
	_ =	swait.eq @!p0 [sflag:s6], $0x1  }
0xb2: {  	s5 =	sor.u32 @!p0 s5, s7;
	[sflag:s6] =	ssyncadd.s32 @!p0 $0xFFFFFFFF  }
0xb3: {  	s25 =	simm.s32 $0x1B8E;
	s24 =	sld [smem:$0x3FFE];
	[sflag:s5] =	ssyncadd.remote.s32 @!p0 $0x1  }
0xb4: {  	s26 =	simm.s32 $execute0_lowered;
	[smem:$0x3FD2] =	sst s25  }
0xb5: {  	s6 =	sshll.u32 s26, $0x1;
	_ =	strace $0x80000049;
	[dreg:$0x1] =	wrdreg $0xFFFFFFFF  }
0xb6: {  	s28 =	simm.s32 $_size_execute0_lowered;
	s4 =	sadd.s32 s4, s6;
	[dreg:$0x0] =	wrdreg $0x0  }
0xb7: {  	s6 =	sshll.u32 s28, $0x1;
	[dreg:$0x2] =	wrdreg s4  }
0xb8: {  	[dreg:$0x3] =	wrdreg s6  }
0xb9: {  	[dreg:$0x4] =	wrdreg $0xC0  }
0xba: {  	_ =	task [dreg:s22], $0x5FFFF  }
0xbb: {  	[dreg:$0x1] =	wrdreg $0xFFFFFFFF  }
0xbc: {  	[dreg:$0x0] =	wrdreg $0x60  }
0xbd: {  	[dreg:$0x2] =	wrdreg s18  }
0xbe: {  	[dreg:$0x3] =	wrdreg s24  }
0xbf: {  	[dreg:$0x4] =	wrdreg $0xA  }
0xc0: {  	_ =	task.clear_ibuf [dreg:s22], $0x5FFFF;
	_ =	strace $0x90000049  }
0xc1: {  	s29 =	simm.s32 $0xA;
	_ =	strace $0x8000004B  }
0xc2: {  	_ =	swait.ge [sflag:s29], $0x1  }
0xc3: {  	[sflag:s29] =	ssyncadd.s32 $0xFFFFFFFF  }
0xc4: {  	_ =	strace $0x9000004B  }
0xc5: {  	_ =	sfence  }
0xc6: {  	s30 =	sld [smem:$0x0];
	_ =	sdelay $0x2  }
0xc7: {  	s31 =	sshll.u32 s1, $0xD;
	s1 =	sshrl.u32 s1, $0x2  }
0xc8: {  	s4 =	sand.u32 $0x4000, s31;
	s1 =	sadd.s32 s1, s30  }
0xc9: {  	s0 =	sor.u32 s4, s0;
	s1 =	sshll.u32 s1, $0x11  }
0xca: {  	s0 =	sor.u32 s1, s0  }
0xcb: {  	s0 =	sadd.s32 $0x8F2B, s0  }
0xcc: {  	[sflag:s0] =	ssyncadd.remote.s32 $0x1  }
0xcd: {  	_ =	sfence.sel $0xFFFF  }
0xce: {  	[dreg:$0x0] =	wrdreg $0xFFFFFFFF;
	(pc) =	sbr.abs _section_cstart, $3  }
0xcf: {  	[dreg:$0x1] =	wrdreg $0xFFFFFFFF  }
0xd0: {  	_ =	task.clear_ibuf [dreg:s22], $0x2FFFF;
	_ =	strace $0x9FFFFFFF  }
0xd1: {  	(tm) =	ssettm $0x7FFFFFFF  }
tec
execute0_lowered:
.L_overlay_start_1:
0x0: {  	(tag) =	ssettag $0x1  }
0x1: {  	s0 =	stileid.u32;
	s1 =	srdreg.scid  }
0x2: {  	s8 =	rddreg [dreg:$0x1];
	s3 =	simm.s32 $0x0;
	s2 =	sshll.u32 s0, $0x1  }
0x3: {  	s6 =	sand.u32 $0x1, s1;
	s25 =	sshrl.u32 s0, $0x3;
	s4 =	sand.u32 $0xE, s2  }
0x4: {  	s1 =	rddreg [dreg:$0x2];
	s9 =	smul.u32 $0x1388, s25;
	s5 =	sor.u32 s6, s4  }
0x5: {  	[smem:$0x7FF] =	sst s3;
	s7 =	smul.u32 $0x2710, s5  }
0x6: {  	s2 =	rddreg [dreg:$0x0];
	_ =	strace $0x8000004A  }
0x7: {  	s10 =	ssub.s32 $0x2, s6;
	s26 =	sshrl.u32 s4, $0x3;
	s7 =	sadd.s32 s9, s7  }
0x8: {  	s30 =	sshrl.u32 s10, $0x1;
	s5 =	sshll.u32 s5, $0x1;
	s7 =	sshrl.u32 s7, $0x3  }
0x9: {  	s28 =	smul.u32 $0x2710, s26;
	s5 =	sand.u32 $0xE, s5;
	s7 =	sadd.s32 s7, s8  }
0xa: {  	s8 =	sadd.s32 s5, s8;
	s5 =	simm.s32 $0x2;
	s4 =	sadd.s32 $0x5E00, s7  }
0xb: {  	[tilespmem:s3], [sflag:$0x2] =	stream.linear.gather [hbm4b:s4+s3], $0x1388, $0x38;
	[tilespmem:$0x14C08] =	vst v63  }
0xc: {  	s6 =	simm.s32 $0x1388;
	s29 =	sadd.s32 s9, s28;
	_ =	swait.ge [sflag:s5], $0x1388  }
0xd: {  	s9 =	ssub.s32 s10, s30;
	s10 =	simm.s32 $0x80;
	[sflag:s5] =	ssyncset.done $0x0  }
0xe: {  	s31 =	smax.u32 s9, $0x1;
	s7 =	simm.s32 $0x1;
	[sflag:s5] =	ssyncadd.s32 $0xFFFFEC78  }
0xf: {  	[tilespmem:s6], [sflag:$0x1] =	stream.indirect.gather [hbm4b:s2+s6], $0x10, s3, s6, $0xb8;
	[tilespmem:$0x14C08] =	vst v63  }
0x10: {  	s11 =	sshll.u32 s29, $0x4;
	p0 =	sne.s32 s31, $0x1;
	_ =	swait.ge [sflag:s7], $0x13880  }
.Ltmp0:
0x11: {  	s8 =	sadd.s32 s11, s8;
	[sflag:s7] =	ssyncset.done $0x0;
	(pc) =	sbr.rel @!p0 .LBB2_2-.Ltmp0, $4  }
0x12: {  	s9 =	simm.s32 $0x10;
	s8 =	sadd.s32 $0x59000, s8;
	[sflag:s7] =	ssyncadd.s32 $0xFFFEC780  }
0x13: {  	[hbm4b:s8+s9] =	stream.strided.scatter [tilespmem:s6], [sflag:$0x2], $0x13880, s10, s9, $0x38;
	[tilespmem:$0x14C08] =	vst v63  }
0x14: {  	_ =	swait.ge [sflag:s5], $0x13880  }
0x15: {  	s11 =	sadd.s32 $0xFFFFFFFF, s31;
	[sflag:s5] =	ssyncset.done $0x0  }
.LBB2_1:
0x16: {  	p0 =	sne.s32 s11, $0x1;
	s11 =	sadd.s32 $0xFFFFFFFF, s11;
	[sflag:s5] =	ssyncadd.s32 $0xFFFEC780  }
0x17: {  	[tilespmem:s3], [sflag:$0x2] =	stream.linear.gather [hbm4b:s4+s3], $0x1388, $0x38;
	[tilespmem:$0x14C08] =	vst v63  }
0x18: {  	_ =	swait.ge [sflag:s5], $0x1388  }
0x19: {  	[sflag:s5] =	ssyncset.done $0x0  }
0x1a: {  	[sflag:s5] =	ssyncadd.s32 $0xFFFFEC78  }
0x1b: {  	[tilespmem:s6], [sflag:$0x1] =	stream.indirect.gather [hbm4b:s2+s6], $0x10, s3, s6, $0xb8;
	[tilespmem:$0x14C08] =	vst v63  }
0x1c: {  	_ =	swait.ge [sflag:s7], $0x13880  }
.Ltmp1:
0x1d: {  	[sflag:s7] =	ssyncset.done $0x0;
	(pc) =	sbr.rel @p0 .LBB2_1-.Ltmp1, $4  }
0x1e: {  	[sflag:s7] =	ssyncadd.s32 $0xFFFEC780  }
0x1f: {  	[hbm4b:s8+s9] =	stream.strided.scatter [tilespmem:s6], [sflag:$0x2], $0x13880, s10, s9, $0x38;
	[tilespmem:$0x14C08] =	vst v63  }
0x20: {  	_ =	swait.ge [sflag:s5], $0x13880  }
0x21: {  	[sflag:s5] =	ssyncset.done $0x0  }
.LBB2_2:
0x22: {  	[sflag:s5] =	ssyncadd.s32 $0xFFFEC780  }
0x23: {  	_ =	sfence.sel $0x180000  }
0x24: {  	[bflag:$0x0] =	sbarrier.arrive $0xFFFF  }
0x25: {  	p0 =	sne.s32 s0, $0x0;
	_ =	strace $0x9000004A  }
0x26: {  	s0 =	sadd.s32 @!p0 $0x100000, s1;
	[bflag:$0x2] =	sbarrier.arrive $0xFFFF  }
0x27: {  	[sflag:s0] =	ssyncadd.tile.s32 @!p0 $0x1;
	_ =	shalt  }
.Lfunc_end2:
_tile_overlayer_lowered:
.L_overlay_start_2:
0x28: {  	(tag) =	ssettag $0x2  }
0x29: {  	s0 =	rddreg [dreg:$0x0];
	s2 =	stileid.u32  }
0x2a: {  	s1 =	rddreg [dreg:$0x1];
	p0 =	sne.s32 s2, $0x0  }
0x2b: {  	s3 =	rddreg [dreg:$0x2];
	[bflag:$0x3] =	sbarrier.arrive $0xFFFF;
	s2 =	simm.s32 @!p0 $0x1C02  }
0x2c: {  	[timem:s3], [sflag:s2] =	dma.local @!p0 [hbm:s0], s1  }
0x2d: {  	s0 =	simm.s32 @!p0 $0x2  }
0x2e: {  	_ =	swait.ge @!p0 [sflag:s0], s1  }
0x2f: {  	s1 =	ssub.s32 @!p0 $0x0, s1;
	[sflag:s0] =	ssyncset.done @!p0 $0x0  }
0x30: {  	[sflag:s0] =	ssyncadd.s32 @!p0 s1  }
0x31: {  	[bflag:$0x3] =	sbarrier.arrive $0xFFFF  }
0x32: {  	_ =	shalt  }

</sc_bundles>
